<compile_context>
chip_gen: v7x
topology: tpu7x:2x2x1
jax: 0.10.2.dev20260603
libtpu: 0.0.44.dev20260713+nightly
codegen_flags: <defaults>
</compile_context>

<pallas_src>
import functools

import jax
import jax.numpy as jnp
from jax import lax
from jax.experimental import pallas as pl
from jax.experimental.pallas import tpu as pltpu
from jax.experimental.pallas import tpu_sc as plsc

VOCAB = 10000
D = 100
SEQ = 200
BATCH = 4096
ROWS = BATCH * SEQ

NC = 2
NS = 16
NW = NC * NS
ROWS_PER_W = ROWS // NW
CHUNK = 100
NCHUNK = ROWS_PER_W // CHUNK
SUB_G = 104
DP = 104
DM = 96
DT = 16
TOFF = D - DT


def _body(word_hbm, idx_hbm, posm_hbm, post_hbm, out_hbm,
          table_sh, idx_v, posm_v, post_v, main_v, rows_v,
          semg0, semg1, semo0, semo1, semi0, semi1):
    cid = lax.axis_index("c")
    sid = lax.axis_index("s")
    wid = cid * NS + sid
    rows_per_tile = VOCAB // NS
    pltpu.sync_copy(word_hbm.at[pl.ds(sid * rows_per_tile, rows_per_tile)],
                    table_sh.at[pl.ds(sid * rows_per_tile, rows_per_tile)])
    pltpu.sync_copy(posm_hbm, posm_v)
    pltpu.sync_copy(post_hbm, post_v)
    pltpu.sync_copy(idx_hbm.at[wid, 0], idx_v.at[0])
    plsc.subcore_barrier()
    bbase = wid * (ROWS_PER_W // SEQ)
    semg = (semg0, semg1)
    semo = (semo0, semo1)
    semi = (semi0, semi1)

    def fire_idx(g, p):
        pltpu.async_copy(idx_hbm.at[wid, g], idx_v.at[p], semi[p])

    def wait_idx(p):
        pltpu.make_async_copy(
            idx_hbm.at[wid, 0], idx_v.at[p], semi[p]).wait()

    def fire_gathers(g_p, b):
        pltpu.async_copy(table_sh.at[idx_v.at[g_p]], main_v.at[b], semg[b])

    def wait_gathers(b):
        pltpu.make_async_copy(
            table_sh.at[idx_v.at[0]], main_v.at[b], semg[b]).wait()

    def wait_out(b):
        pltpu.make_async_copy(
            rows_v.at[b], out_hbm.at[0, pl.ds(0, CHUNK)], semo[b]).wait()

    def merge(b):
        p0 = b * CHUNK

        @plsc.parallel_loop(0, CHUNK, unroll=4)
        def row_body(r):
            for j in range(6):
                rows_v[b, r, pl.ds(j * 16, 16)] = (
                    main_v[b, r, pl.ds(j * 16, 16)]
                    + posm_v[p0 + r, pl.ds(j * 16, 16)])
            rows_v[b, r, pl.ds(TOFF, 16)] = (
                main_v[b, r, pl.ds(TOFF, 16)] + post_v[p0 + r, :])

    fire_gathers(0, 0)
    fire_idx(1, 1)

    def pair_body(gg, carry):
        for b in range(2):
            g = gg * 2 + b

            @pl.when(g + 1 < NCHUNK)
            def _():
                wait_idx(1 - b)
                fire_gathers(1 - b, 1 - b)

            wait_gathers(b)

            @pl.when(g + 2 < NCHUNK)
            def _():
                fire_idx(g + 2, b)

            @pl.when(gg >= 1)
            def _():
                wait_out(b)

            merge(b)
            pltpu.async_copy(
                rows_v.at[b],
                out_hbm.at[bbase + gg, pl.ds(b * CHUNK, CHUNK)],
                semo[b])
        return carry

    lax.fori_loop(0, NCHUNK // 2, pair_body, 0)
    wait_out(0)
    wait_out(1)


@functools.partial(
    pl.kernel,
    out_type=jax.ShapeDtypeStruct((BATCH, SEQ, D), jnp.float32),
    mesh=plsc.VectorSubcoreMesh(core_axis_name="c", subcore_axis_name="s"),
    scratch_types=[
        pltpu.VMEM_SHARED((VOCAB, DP), jnp.float32),
        pltpu.VMEM((2, SUB_G), jnp.int32),
        pltpu.VMEM((SEQ, DM), jnp.float32),
        pltpu.VMEM((SEQ, DT), jnp.float32),
        pltpu.VMEM((2, SUB_G, DP), jnp.float32),
        pltpu.VMEM((2, CHUNK, D), jnp.float32),
        pltpu.SemaphoreType.DMA,
        pltpu.SemaphoreType.DMA,
        pltpu.SemaphoreType.DMA,
        pltpu.SemaphoreType.DMA,
        pltpu.SemaphoreType.DMA,
        pltpu.SemaphoreType.DMA,
    ],
    compiler_params=pltpu.CompilerParams(use_tc_tiling_on_sc=False),
)
def _embed_kernel(word_hbm, idx_hbm, posm_hbm, post_hbm, out_hbm,
                  table_sh, idx_v, posm_v, post_v, main_v, rows_v,
                  semg0, semg1, semo0, semo1, semi0, semi1):
    _body(word_hbm, idx_hbm, posm_hbm, post_hbm, out_hbm,
          table_sh, idx_v, posm_v, post_v, main_v, rows_v,
          semg0, semg1, semo0, semo1, semi0, semi1)


def kernel(inputs, word_table, pos_table):
    idx = inputs.reshape(ROWS // CHUNK, CHUNK).astype(jnp.int32)
    idx = jnp.concatenate([idx, jnp.roll(idx, -1, axis=0)[:, :4]], axis=1)
    idx = idx.reshape(NW, NCHUNK, SUB_G)
    word_pad = jnp.pad(word_table, ((0, 0), (0, DP - D)))
    return _embed_kernel(word_pad, idx, pos_table[:, :DM],
                         pos_table[:, TOFF:])

# --- scband reference (transcript-rebuilt; emitter-appended) ---
"""Pipeline reference for scband-positional-embedding-21552145891875 (READ-ONLY COPY).

The authoritative reference and input builder live on the scoring server;
editing this copy changes nothing except your own understanding.
"""

import jax, jax.numpy as jnp
import numpy as np

VOCAB = 10000
EMBED_DIMS = 100
SEQ_LEN = 200
BATCH = 4096

def setup_inputs(seed: int = 0) -> dict:
    key = jax.random.key(seed)
    k1, k2, k3 = jax.random.split(key, 3)
    inputs = jax.random.randint(k1, (BATCH, SEQ_LEN), 0, VOCAB)
    # word table: module uses a constant pretrained matrix (zeros placeholder in source);
    # we fill with randn so the computation is non-degenerate. It is frozen (trainable=False).
    word_table = jax.random.normal(k2, (VOCAB, EMBED_DIMS), dtype=jnp.float32)
    pos_table = jax.random.normal(k3, (SEQ_LEN, EMBED_DIMS), dtype=jnp.float32) * 0.05
    return {"inputs": inputs, "word_table": word_table, "pos_table": pos_table}

def reference(inputs, word_table, pos_table):
    length = inputs.shape[-1]
    positions = jnp.arange(0, length, 1)
    embedded_words = jnp.take(word_table, inputs, axis=0)
    embedded_pos = jnp.take(pos_table, positions, axis=0)
    return embedded_words + embedded_pos

if __name__ == "__main__":
    import jax
    _d = setup_inputs()
    print(jax.jit(kernel)(*tuple(_d.values())))

</pallas_src>

<mosaic_0001>
#map = affine_map<(d0, d1) -> (0, 0)>
#map1 = affine_map<(d0, d1) -> (0, 0, 0)>
module attributes {stable_mosaic.version = 14 : i64} {
  func.func @_embed_kernel(%arg0: i32, %arg1: i32, %arg2: memref<10000x104xf32, #tpu.memory_space<hbm>>, %arg3: memref<32x256x104xi32, #tpu.memory_space<hbm>>, %arg4: memref<200x96xf32, #tpu.memory_space<hbm>>, %arg5: memref<200x16xf32, #tpu.memory_space<hbm>>, %arg6: memref<4096x200x100xf32, #tpu.memory_space<hbm>>, %arg7: memref<10000x104xf32, #tpu.memory_space<vmem_shared>>, %arg8: memref<2x104xi32, #tpu.memory_space<vmem>>, %arg9: memref<200x96xf32, #tpu.memory_space<vmem>>, %arg10: memref<200x16xf32, #tpu.memory_space<vmem>>, %arg11: memref<2x104x104xf32, #tpu.memory_space<vmem>>, %arg12: memref<2x100x100xf32, #tpu.memory_space<vmem>>, %arg13: memref<!tpu.dma_semaphore, #tpu.memory_space<semaphore_mem>>, %arg14: memref<!tpu.dma_semaphore, #tpu.memory_space<semaphore_mem>>, %arg15: memref<!tpu.dma_semaphore, #tpu.memory_space<semaphore_mem>>, %arg16: memref<!tpu.dma_semaphore, #tpu.memory_space<semaphore_mem>>, %arg17: memref<!tpu.dma_semaphore, #tpu.memory_space<semaphore_mem>>, %arg18: memref<!tpu.dma_semaphore, #tpu.memory_space<semaphore_mem>>) attributes {dimension_semantics = [#tpu.dimension_semantics<core_parallel>, #tpu.dimension_semantics<subcore_parallel>], iteration_bounds = array<i64: 2, 16>, scalar_prefetch = 0 : i64, scratch_operands = 12 : i64, tpu.core_type = #tpu.core_type<sc_vector_subcore>, window_params = [{transform_indices = #map}, {transform_indices = #map1}, {transform_indices = #map}, {transform_indices = #map}, {transform_indices = #map1}]} {
    %mul3A = arith.constant 16 : i32
    %mul3A_0 = arith.muli %arg0, %mul3A : i32
    %add3A = arith.addi %mul3A_0, %arg1 : i32
    %mul3A_1 = arith.constant 625 : i32
    %mul3A_2 = arith.muli %arg1, %mul3A_1 : i32
    %mul3A_3 = arith.constant 625 : i32
    %mul3A_4 = arith.muli %arg1, %mul3A_3 : i32
    "tpu.region"() ({
      %run_scoped3A_73 = tpu.sem_alloc : memref<!tpu.dma_semaphore, #tpu.memory_space<semaphore_mem>>
      %dma_start3A_74 = arith.constant 0 : i32
      %dma_start3A_75 = tpu.memref_slice %arg7[%mul3A_4, %dma_start3A_74] : memref<10000x104xf32, #tpu.memory_space<vmem_shared>> -> memref<625x104xf32, #tpu.memory_space<vmem_shared>>
      %dma_start3A_76 = arith.constant 0 : i32
      %dma_start3A_77 = tpu.memref_slice %arg2[%mul3A_2, %dma_start3A_76] : memref<10000x104xf32, #tpu.memory_space<hbm>> -> memref<625x104xf32, #tpu.memory_space<hbm>>
      tpu.enqueue_dma source(%dma_start3A_77 : memref<625x104xf32, #tpu.memory_space<hbm>>) target(%dma_start3A_75 : memref<625x104xf32, #tpu.memory_space<vmem_shared>>) target_semaphore(%run_scoped3A_73 : memref<!tpu.dma_semaphore, #tpu.memory_space<semaphore_mem>>)
      %dma_wait3A_78 = arith.constant 0 : i32
      %dma_wait3A_79 = tpu.memref_slice %arg7[%mul3A_4, %dma_wait3A_78] : memref<10000x104xf32, #tpu.memory_space<vmem_shared>> -> memref<625x104xf32, #tpu.memory_space<vmem_shared>>
      %dma_wait3A_80 = arith.constant 0 : i32
      %dma_wait3A_81 = tpu.memref_slice %arg2[%mul3A_2, %dma_wait3A_80] : memref<10000x104xf32, #tpu.memory_space<hbm>> -> memref<625x104xf32, #tpu.memory_space<hbm>>
      tpu.wait_dma2 semaphore(%run_scoped3A_73 : memref<!tpu.dma_semaphore, #tpu.memory_space<semaphore_mem>>) src(%dma_wait3A_81 : memref<625x104xf32, #tpu.memory_space<hbm>>) dst(%dma_wait3A_79 : memref<625x104xf32, #tpu.memory_space<vmem_shared>>)
      tpu.yield
    }) : () -> ()
    "tpu.region"() ({
      %run_scoped3A_73 = tpu.sem_alloc : memref<!tpu.dma_semaphore, #tpu.memory_space<semaphore_mem>>
      tpu.enqueue_dma source(%arg4 : memref<200x96xf32, #tpu.memory_space<hbm>>) target(%arg9 : memref<200x96xf32, #tpu.memory_space<vmem>>) target_semaphore(%run_scoped3A_73 : memref<!tpu.dma_semaphore, #tpu.memory_space<semaphore_mem>>)
      tpu.wait_dma2 semaphore(%run_scoped3A_73 : memref<!tpu.dma_semaphore, #tpu.memory_space<semaphore_mem>>) src(%arg4 : memref<200x96xf32, #tpu.memory_space<hbm>>) dst(%arg9 : memref<200x96xf32, #tpu.memory_space<vmem>>)
      tpu.yield
    }) : () -> ()
    "tpu.region"() ({
      %run_scoped3A_73 = tpu.sem_alloc : memref<!tpu.dma_semaphore, #tpu.memory_space<semaphore_mem>>
      tpu.enqueue_dma source(%arg5 : memref<200x16xf32, #tpu.memory_space<hbm>>) target(%arg10 : memref<200x16xf32, #tpu.memory_space<vmem>>) target_semaphore(%run_scoped3A_73 : memref<!tpu.dma_semaphore, #tpu.memory_space<semaphore_mem>>)
      tpu.wait_dma2 semaphore(%run_scoped3A_73 : memref<!tpu.dma_semaphore, #tpu.memory_space<semaphore_mem>>) src(%arg5 : memref<200x16xf32, #tpu.memory_space<hbm>>) dst(%arg10 : memref<200x16xf32, #tpu.memory_space<vmem>>)
      tpu.yield
    }) : () -> ()
    %run_scoped3A = arith.constant 0 : i32
    %run_scoped3A_5 = arith.constant 0 : i32
    "tpu.region"() ({
      %run_scoped3A_73 = tpu.sem_alloc : memref<!tpu.dma_semaphore, #tpu.memory_space<semaphore_mem>>
      %dma_start3A_74 = arith.constant 0 : i32
      %dma_start3A_75 = tpu.memref_slice %arg8[%run_scoped3A_5, %dma_start3A_74] : memref<2x104xi32, #tpu.memory_space<vmem>> -> memref<1x104xi32, #tpu.memory_space<vmem>>
      %dma_start3A_76 = tpu.memref_squeeze %dma_start3A_75 : memref<1x104xi32, #tpu.memory_space<vmem>> -> memref<104xi32, #tpu.memory_space<vmem>>
      %dma_start3A_77 = arith.constant 0 : i32
      %dma_start3A_78 = tpu.memref_slice %arg3[%add3A, %run_scoped3A, %dma_start3A_77] : memref<32x256x104xi32, #tpu.memory_space<hbm>> -> memref<1x1x104xi32, #tpu.memory_space<hbm>>
      %dma_start3A_79 = tpu.memref_squeeze %dma_start3A_78 : memref<1x1x104xi32, #tpu.memory_space<hbm>> -> memref<104xi32, #tpu.memory_space<hbm>>
      %dma_start3A_80 = arith.constant 0 : i32
      %dma_start3A_81 = tpu.memref_slice %arg8[%run_scoped3A_5, %dma_start3A_80] : memref<2x104xi32, #tpu.memory_space<vmem>> -> memref<1x104xi32, #tpu.memory_space<vmem>>
      %dma_start3A_82 = tpu.memref_squeeze %dma_start3A_81 : memref<1x104xi32, #tpu.memory_space<vmem>> -> memref<104xi32, #tpu.memory_space<vmem>>
      %dma_start3A_83 = arith.constant 0 : i32
      %dma_start3A_84 = tpu.memref_slice %arg3[%add3A, %run_scoped3A, %dma_start3A_83] : memref<32x256x104xi32, #tpu.memory_space<hbm>> -> memref<1x1x104xi32, #tpu.memory_space<hbm>>
      %dma_start3A_85 = tpu.memref_squeeze %dma_start3A_84 : memref<1x1x104xi32, #tpu.memory_space<hbm>> -> memref<104xi32, #tpu.memory_space<hbm>>
      tpu.enqueue_dma source(%dma_start3A_85 : memref<104xi32, #tpu.memory_space<hbm>>) target(%dma_start3A_82 : memref<104xi32, #tpu.memory_space<vmem>>) target_semaphore(%run_scoped3A_73 : memref<!tpu.dma_semaphore, #tpu.memory_space<semaphore_mem>>)
      %dma_wait3A_86 = arith.constant 0 : i32
      %dma_wait3A_87 = tpu.memref_slice %arg8[%run_scoped3A_5, %dma_wait3A_86] : memref<2x104xi32, #tpu.memory_space<vmem>> -> memref<1x104xi32, #tpu.memory_space<vmem>>
      %dma_wait3A_88 = tpu.memref_squeeze %dma_wait3A_87 : memref<1x104xi32, #tpu.memory_space<vmem>> -> memref<104xi32, #tpu.memory_space<vmem>>
      %dma_wait3A_89 = arith.constant 0 : i32
      %dma_wait3A_90 = tpu.memref_slice %arg3[%add3A, %run_scoped3A, %dma_wait3A_89] : memref<32x256x104xi32, #tpu.memory_space<hbm>> -> memref<1x1x104xi32, #tpu.memory_space<hbm>>
      %dma_wait3A_91 = tpu.memref_squeeze %dma_wait3A_90 : memref<1x1x104xi32, #tpu.memory_space<hbm>> -> memref<104xi32, #tpu.memory_space<hbm>>
      %dma_wait3A_92 = arith.constant 0 : i32
      %dma_wait3A_93 = tpu.memref_slice %arg8[%run_scoped3A_5, %dma_wait3A_92] : memref<2x104xi32, #tpu.memory_space<vmem>> -> memref<1x104xi32, #tpu.memory_space<vmem>>
      %dma_wait3A_94 = tpu.memref_squeeze %dma_wait3A_93 : memref<1x104xi32, #tpu.memory_space<vmem>> -> memref<104xi32, #tpu.memory_space<vmem>>
      %dma_wait3A_95 = arith.constant 0 : i32
      %dma_wait3A_96 = tpu.memref_slice %arg3[%add3A, %run_scoped3A, %dma_wait3A_95] : memref<32x256x104xi32, #tpu.memory_space<hbm>> -> memref<1x1x104xi32, #tpu.memory_space<hbm>>
      %dma_wait3A_97 = tpu.memref_squeeze %dma_wait3A_96 : memref<1x1x104xi32, #tpu.memory_space<hbm>> -> memref<104xi32, #tpu.memory_space<hbm>>
      tpu.wait_dma2 semaphore(%run_scoped3A_73 : memref<!tpu.dma_semaphore, #tpu.memory_space<semaphore_mem>>) src(%dma_wait3A_97 : memref<104xi32, #tpu.memory_space<hbm>>) dst(%dma_wait3A_94 : memref<104xi32, #tpu.memory_space<vmem>>)
      tpu.yield
    }) : () -> ()
    %barrier3A = arith.constant 0 : index
    tpu.barrier barrier_id(%barrier3A)
    %mul3A_6 = arith.constant 128 : i32
    %mul3A_7 = arith.muli %add3A, %mul3A_6 : i32
    %dma_start3A = arith.constant 0 : i32
    %dma_start3A_8 = arith.constant 0 : i32
    %dma_start3A_9 = arith.constant 0 : i32
    %dma_start3A_10 = arith.constant 0 : i32
    %dma_start3A_11 = tpu.memref_slice %arg11[%dma_start3A_8, %dma_start3A_9, %dma_start3A_10] : memref<2x104x104xf32, #tpu.memory_space<vmem>> -> memref<1x104x104xf32, #tpu.memory_space<vmem>>
    %dma_start3A_12 = tpu.memref_squeeze %dma_start3A_11 : memref<1x104x104xf32, #tpu.memory_space<vmem>> -> memref<104x104xf32, #tpu.memory_space<vmem>>
    %dma_start3A_13 = arith.constant 0 : i32
    %dma_start3A_14 = tpu.memref_slice %arg8[%dma_start3A, %dma_start3A_13] : memref<2x104xi32, #tpu.memory_space<vmem>> -> memref<1x104xi32, #tpu.memory_space<vmem>>
    %dma_start3A_15 = tpu.memref_squeeze %dma_start3A_14 : memref<1x104xi32, #tpu.memory_space<vmem>> -> memref<104xi32, #tpu.memory_space<vmem>>
    %dma_start3A_16 = arith.constant 0 : i32
    %dma_start3A_17 = arith.constant 0 : i32
    %dma_start3A_18 = tpu.memref_slice %arg7[%dma_start3A_16, %dma_start3A_17] : memref<10000x104xf32, #tpu.memory_space<vmem_shared>> -> memref<10000x104xf32, #tpu.memory_space<vmem_shared>>
    tpu.enqueue_indirect_dma source(%dma_start3A_18 : memref<10000x104xf32, #tpu.memory_space<vmem_shared>>) target(%dma_start3A_12 : memref<104x104xf32, #tpu.memory_space<vmem>>) offsets(%dma_start3A_15 : memref<104xi32, #tpu.memory_space<vmem>>) semaphore(%arg13 : memref<!tpu.dma_semaphore, #tpu.memory_space<semaphore_mem>>)
    %dma_start3A_19 = arith.constant 1 : i32
    %dma_start3A_20 = arith.constant 1 : i32
    %dma_start3A_21 = arith.constant 0 : i32
    %dma_start3A_22 = tpu.memref_slice %arg8[%dma_start3A_20, %dma_start3A_21] : memref<2x104xi32, #tpu.memory_space<vmem>> -> memref<1x104xi32, #tpu.memory_space<vmem>>
    %dma_start3A_23 = tpu.memref_squeeze %dma_start3A_22 : memref<1x104xi32, #tpu.memory_space<vmem>> -> memref<104xi32, #tpu.memory_space<vmem>>
    %dma_start3A_24 = arith.constant 0 : i32
    %dma_start3A_25 = tpu.memref_slice %arg3[%add3A, %dma_start3A_19, %dma_start3A_24] : memref<32x256x104xi32, #tpu.memory_space<hbm>> -> memref<1x1x104xi32, #tpu.memory_space<hbm>>
    %dma_start3A_26 = tpu.memref_squeeze %dma_start3A_25 : memref<1x1x104xi32, #tpu.memory_space<hbm>> -> memref<104xi32, #tpu.memory_space<hbm>>
    %dma_start3A_27 = arith.constant 0 : i32
    %dma_start3A_28 = tpu.memref_slice %arg8[%dma_start3A_20, %dma_start3A_27] : memref<2x104xi32, #tpu.memory_space<vmem>> -> memref<1x104xi32, #tpu.memory_space<vmem>>
    %dma_start3A_29 = tpu.memref_squeeze %dma_start3A_28 : memref<1x104xi32, #tpu.memory_space<vmem>> -> memref<104xi32, #tpu.memory_space<vmem>>
    %dma_start3A_30 = arith.constant 0 : i32
    %dma_start3A_31 = tpu.memref_slice %arg3[%add3A, %dma_start3A_19, %dma_start3A_30] : memref<32x256x104xi32, #tpu.memory_space<hbm>> -> memref<1x1x104xi32, #tpu.memory_space<hbm>>
    %dma_start3A_32 = tpu.memref_squeeze %dma_start3A_31 : memref<1x1x104xi32, #tpu.memory_space<hbm>> -> memref<104xi32, #tpu.memory_space<hbm>>
    tpu.enqueue_dma source(%dma_start3A_32 : memref<104xi32, #tpu.memory_space<hbm>>) target(%dma_start3A_29 : memref<104xi32, #tpu.memory_space<vmem>>) target_semaphore(%arg18 : memref<!tpu.dma_semaphore, #tpu.memory_space<semaphore_mem>>)
    %scan3A = arith.constant 0 : i32
    %scan3A_33 = arith.constant 0 : i32
    %scan3A_34 = arith.constant 128 : i32
    %scan3A_35 = arith.addi %scan3A_33, %scan3A_34 : i32
    %scan3A_36 = arith.constant 1 : i32
    scf.for %scan3A_73 = %scan3A_33 to %scan3A_35 step %scan3A_36  : i32 {
      %mul3A_74 = arith.constant 2 : i32
      %mul3A_75 = arith.muli %scan3A_73, %mul3A_74 : i32
      %add3A_76 = arith.constant 0 : i32
      %add3A_77 = arith.addi %mul3A_75, %add3A_76 : i32
      %add3A_78 = arith.constant 1 : i32
      %add3A_79 = arith.addi %add3A_77, %add3A_78 : i32
      %lt3A = arith.constant 256 : i32
      %lt3A_80 = arith.cmpi slt, %add3A_79, %lt3A : i32
      %convert_element_type3A = arith.extui %lt3A_80 : i1 to i32
      %cond3A = arith.constant 0 : i32
      %cond3A_81 = arith.cmpi ne, %convert_element_type3A, %cond3A : i32
      scf.if %cond3A_81 {
        %dma_wait3A_181 = arith.constant 0 : i32
        %dma_wait3A_182 = arith.constant 1 : i32
        %dma_wait3A_183 = arith.constant 0 : i32
        %dma_wait3A_184 = tpu.memref_slice %arg8[%dma_wait3A_182, %dma_wait3A_183] : memref<2x104xi32, #tpu.memory_space<vmem>> -> memref<1x104xi32, #tpu.memory_space<vmem>>
        %dma_wait3A_185 = tpu.memref_squeeze %dma_wait3A_184 : memref<1x104xi32, #tpu.memory_space<vmem>> -> memref<104xi32, #tpu.memory_space<vmem>>
        %dma_wait3A_186 = arith.constant 0 : i32
        %dma_wait3A_187 = tpu.memref_slice %arg3[%add3A, %dma_wait3A_181, %dma_wait3A_186] : memref<32x256x104xi32, #tpu.memory_space<hbm>> -> memref<1x1x104xi32, #tpu.memory_space<hbm>>
        %dma_wait3A_188 = tpu.memref_squeeze %dma_wait3A_187 : memref<1x1x104xi32, #tpu.memory_space<hbm>> -> memref<104xi32, #tpu.memory_space<hbm>>
        %dma_wait3A_189 = arith.constant 0 : i32
        %dma_wait3A_190 = tpu.memref_slice %arg8[%dma_wait3A_182, %dma_wait3A_189] : memref<2x104xi32, #tpu.memory_space<vmem>> -> memref<1x104xi32, #tpu.memory_space<vmem>>
        %dma_wait3A_191 = tpu.memref_squeeze %dma_wait3A_190 : memref<1x104xi32, #tpu.memory_space<vmem>> -> memref<104xi32, #tpu.memory_space<vmem>>
        %dma_wait3A_192 = arith.constant 0 : i32
        %dma_wait3A_193 = tpu.memref_slice %arg3[%add3A, %dma_wait3A_181, %dma_wait3A_192] : memref<32x256x104xi32, #tpu.memory_space<hbm>> -> memref<1x1x104xi32, #tpu.memory_space<hbm>>
        %dma_wait3A_194 = tpu.memref_squeeze %dma_wait3A_193 : memref<1x1x104xi32, #tpu.memory_space<hbm>> -> memref<104xi32, #tpu.memory_space<hbm>>
        tpu.wait_dma2 semaphore(%arg18 : memref<!tpu.dma_semaphore, #tpu.memory_space<semaphore_mem>>) src(%dma_wait3A_194 : memref<104xi32, #tpu.memory_space<hbm>>) dst(%dma_wait3A_191 : memref<104xi32, #tpu.memory_space<vmem>>)
        %dma_start3A_195 = arith.constant 1 : i32
        %dma_start3A_196 = arith.constant 1 : i32
        %dma_start3A_197 = arith.constant 0 : i32
        %dma_start3A_198 = arith.constant 0 : i32
        %dma_start3A_199 = tpu.memref_slice %arg11[%dma_start3A_196, %dma_start3A_197, %dma_start3A_198] : memref<2x104x104xf32, #tpu.memory_space<vmem>> -> memref<1x104x104xf32, #tpu.memory_space<vmem>>
        %dma_start3A_200 = tpu.memref_squeeze %dma_start3A_199 : memref<1x104x104xf32, #tpu.memory_space<vmem>> -> memref<104x104xf32, #tpu.memory_space<vmem>>
        %dma_start3A_201 = arith.constant 0 : i32
        %dma_start3A_202 = tpu.memref_slice %arg8[%dma_start3A_195, %dma_start3A_201] : memref<2x104xi32, #tpu.memory_space<vmem>> -> memref<1x104xi32, #tpu.memory_space<vmem>>
        %dma_start3A_203 = tpu.memref_squeeze %dma_start3A_202 : memref<1x104xi32, #tpu.memory_space<vmem>> -> memref<104xi32, #tpu.memory_space<vmem>>
        %dma_start3A_204 = arith.constant 0 : i32
        %dma_start3A_205 = arith.constant 0 : i32
        %dma_start3A_206 = tpu.memref_slice %arg7[%dma_start3A_204, %dma_start3A_205] : memref<10000x104xf32, #tpu.memory_space<vmem_shared>> -> memref<10000x104xf32, #tpu.memory_space<vmem_shared>>
        tpu.enqueue_indirect_dma source(%dma_start3A_206 : memref<10000x104xf32, #tpu.memory_space<vmem_shared>>) target(%dma_start3A_200 : memref<104x104xf32, #tpu.memory_space<vmem>>) offsets(%dma_start3A_203 : memref<104xi32, #tpu.memory_space<vmem>>) semaphore(%arg14 : memref<!tpu.dma_semaphore, #tpu.memory_space<semaphore_mem>>)
      } else {
      }
      %dma_wait3A_82 = arith.constant 0 : i32
      %dma_wait3A_83 = arith.constant 0 : i32
      %dma_wait3A_84 = arith.constant 0 : i32
      %dma_wait3A_85 = arith.constant 0 : i32
      %dma_wait3A_86 = tpu.memref_slice %arg11[%dma_wait3A_83, %dma_wait3A_84, %dma_wait3A_85] : memref<2x104x104xf32, #tpu.memory_space<vmem>> -> memref<1x104x104xf32, #tpu.memory_space<vmem>>
      %dma_wait3A_87 = tpu.memref_squeeze %dma_wait3A_86 : memref<1x104x104xf32, #tpu.memory_space<vmem>> -> memref<104x104xf32, #tpu.memory_space<vmem>>
      %dma_wait3A_88 = arith.constant 0 : i32
      %dma_wait3A_89 = tpu.memref_slice %arg8[%dma_wait3A_82, %dma_wait3A_88] : memref<2x104xi32, #tpu.memory_space<vmem>> -> memref<1x104xi32, #tpu.memory_space<vmem>>
      %dma_wait3A_90 = tpu.memref_squeeze %dma_wait3A_89 : memref<1x104xi32, #tpu.memory_space<vmem>> -> memref<104xi32, #tpu.memory_space<vmem>>
      %dma_wait3A_91 = arith.constant 0 : i32
      %dma_wait3A_92 = arith.constant 0 : i32
      %dma_wait3A_93 = tpu.memref_slice %arg7[%dma_wait3A_91, %dma_wait3A_92] : memref<10000x104xf32, #tpu.memory_space<vmem_shared>> -> memref<10000x104xf32, #tpu.memory_space<vmem_shared>>
      tpu.wait_indirect_dma semaphore(%arg13 : memref<!tpu.dma_semaphore, #tpu.memory_space<semaphore_mem>>) src(%dma_wait3A_93 : memref<10000x104xf32, #tpu.memory_space<vmem_shared>>) dst(%dma_wait3A_87 : memref<104x104xf32, #tpu.memory_space<vmem>>)
      %add3A_94 = arith.constant 2 : i32
      %add3A_95 = arith.addi %add3A_77, %add3A_94 : i32
      %lt3A_96 = arith.constant 256 : i32
      %lt3A_97 = arith.cmpi slt, %add3A_95, %lt3A_96 : i32
      %convert_element_type3A_98 = arith.extui %lt3A_97 : i1 to i32
      %cond3A_99 = arith.constant 0 : i32
      %cond3A_100 = arith.cmpi ne, %convert_element_type3A_98, %cond3A_99 : i32
      scf.if %cond3A_100 {
        %add3A_181 = arith.constant 2 : i32
        %add3A_182 = arith.addi %add3A_77, %add3A_181 : i32
        %dma_start3A_183 = arith.constant 0 : i32
        %dma_start3A_184 = arith.constant 0 : i32
        %dma_start3A_185 = tpu.memref_slice %arg8[%dma_start3A_183, %dma_start3A_184] : memref<2x104xi32, #tpu.memory_space<vmem>> -> memref<1x104xi32, #tpu.memory_space<vmem>>
        %dma_start3A_186 = tpu.memref_squeeze %dma_start3A_185 : memref<1x104xi32, #tpu.memory_space<vmem>> -> memref<104xi32, #tpu.memory_space<vmem>>
        %dma_start3A_187 = arith.constant 0 : i32
        %dma_start3A_188 = tpu.memref_slice %arg3[%add3A, %add3A_182, %dma_start3A_187] : memref<32x256x104xi32, #tpu.memory_space<hbm>> -> memref<1x1x104xi32, #tpu.memory_space<hbm>>
        %dma_start3A_189 = tpu.memref_squeeze %dma_start3A_188 : memref<1x1x104xi32, #tpu.memory_space<hbm>> -> memref<104xi32, #tpu.memory_space<hbm>>
        %dma_start3A_190 = arith.constant 0 : i32
        %dma_start3A_191 = tpu.memref_slice %arg8[%dma_start3A_183, %dma_start3A_190] : memref<2x104xi32, #tpu.memory_space<vmem>> -> memref<1x104xi32, #tpu.memory_space<vmem>>
        %dma_start3A_192 = tpu.memref_squeeze %dma_start3A_191 : memref<1x104xi32, #tpu.memory_space<vmem>> -> memref<104xi32, #tpu.memory_space<vmem>>
        %dma_start3A_193 = arith.constant 0 : i32
        %dma_start3A_194 = tpu.memref_slice %arg3[%add3A, %add3A_182, %dma_start3A_193] : memref<32x256x104xi32, #tpu.memory_space<hbm>> -> memref<1x1x104xi32, #tpu.memory_space<hbm>>
        %dma_start3A_195 = tpu.memref_squeeze %dma_start3A_194 : memref<1x1x104xi32, #tpu.memory_space<hbm>> -> memref<104xi32, #tpu.memory_space<hbm>>
        tpu.enqueue_dma source(%dma_start3A_195 : memref<104xi32, #tpu.memory_space<hbm>>) target(%dma_start3A_192 : memref<104xi32, #tpu.memory_space<vmem>>) target_semaphore(%arg17 : memref<!tpu.dma_semaphore, #tpu.memory_space<semaphore_mem>>)
      } else {
      }
      %ge3A = arith.constant 1 : i32
      %ge3A_101 = arith.cmpi sge, %scan3A_73, %ge3A : i32
      %convert_element_type3A_102 = arith.extui %ge3A_101 : i1 to i32
      %cond3A_103 = arith.constant 0 : i32
      %cond3A_104 = arith.cmpi ne, %convert_element_type3A_102, %cond3A_103 : i32
      scf.if %cond3A_104 {
        %dma_wait3A_181 = arith.constant 0 : i32
        %dma_wait3A_182 = arith.constant 0 : i32
        %dma_wait3A_183 = arith.constant 0 : i32
        %dma_wait3A_184 = arith.constant 0 : i32
        %dma_wait3A_185 = tpu.memref_slice %arg12[%dma_wait3A_181, %dma_wait3A_183, %dma_wait3A_184] : memref<2x100x100xf32, #tpu.memory_space<vmem>> -> memref<1x100x100xf32, #tpu.memory_space<vmem>>
        %dma_wait3A_186 = tpu.memref_squeeze %dma_wait3A_185 : memref<1x100x100xf32, #tpu.memory_space<vmem>> -> memref<100x100xf32, #tpu.memory_space<vmem>>
        %dma_wait3A_187 = arith.constant 0 : i32
        %dma_wait3A_188 = arith.constant 0 : i32
        %dma_wait3A_189 = tpu.memref_slice %arg6[%dma_wait3A_182, %dma_wait3A_187, %dma_wait3A_188] : memref<4096x200x100xf32, #tpu.memory_space<hbm>> -> memref<1x100x100xf32, #tpu.memory_space<hbm>>
        %dma_wait3A_190 = tpu.memref_squeeze %dma_wait3A_189 : memref<1x100x100xf32, #tpu.memory_space<hbm>> -> memref<100x100xf32, #tpu.memory_space<hbm>>
        %dma_wait3A_191 = arith.constant 0 : i32
        %dma_wait3A_192 = arith.constant 0 : i32
        %dma_wait3A_193 = tpu.memref_slice %arg6[%dma_wait3A_182, %dma_wait3A_191, %dma_wait3A_192] : memref<4096x200x100xf32, #tpu.memory_space<hbm>> -> memref<1x100x100xf32, #tpu.memory_space<hbm>>
        %dma_wait3A_194 = tpu.memref_squeeze %dma_wait3A_193 : memref<1x100x100xf32, #tpu.memory_space<hbm>> -> memref<100x100xf32, #tpu.memory_space<hbm>>
        %dma_wait3A_195 = arith.constant 0 : i32
        %dma_wait3A_196 = arith.constant 0 : i32
        %dma_wait3A_197 = tpu.memref_slice %arg12[%dma_wait3A_181, %dma_wait3A_195, %dma_wait3A_196] : memref<2x100x100xf32, #tpu.memory_space<vmem>> -> memref<1x100x100xf32, #tpu.memory_space<vmem>>
        %dma_wait3A_198 = tpu.memref_squeeze %dma_wait3A_197 : memref<1x100x100xf32, #tpu.memory_space<vmem>> -> memref<100x100xf32, #tpu.memory_space<vmem>>
        tpu.wait_dma2 semaphore(%arg15 : memref<!tpu.dma_semaphore, #tpu.memory_space<semaphore_mem>>) src(%dma_wait3A_198 : memref<100x100xf32, #tpu.memory_space<vmem>>) dst(%dma_wait3A_194 : memref<100x100xf32, #tpu.memory_space<hbm>>)
      } else {
      }
      %parallel_loop3A = arith.constant 0 : i32
      %parallel_loop3A_105 = arith.constant 100 : i32
      %parallel_loop3A_106 = arith.constant 1 : i32
      scf.for %parallel_loop3A_181 = %parallel_loop3A to %parallel_loop3A_105 step %parallel_loop3A_106  : i32 {
        %parallel_loop3A_182 = arith.constant 0 : i32
        %parallel_loop3A_183 = arith.index_cast %parallel_loop3A_182 : i32 to index
        %parallel_loop3A_184 = arith.index_cast %parallel_loop3A_181 : i32 to index
        %parallel_loop3A_185 = arith.constant 0 : index
        %parallel_loop3A_186 = tpu.vector_load %arg11[%parallel_loop3A_183, %parallel_loop3A_184, %parallel_loop3A_185] {strides = array<i32>} : memref<2x104x104xf32, #tpu.memory_space<vmem>>, vector<1x1x16xf32>,
        %parallel_loop3A_187 = vector.shape_cast %parallel_loop3A_186 : vector<1x1x16xf32> to vector<16xf32>
        %parallel_loop3A_188 = arith.constant 0 : i32
        %parallel_loop3A_189 = arith.addi %parallel_loop3A_188, %parallel_loop3A_181 : i32
        %parallel_loop3A_190 = arith.index_cast %parallel_loop3A_189 : i32 to index
        %parallel_loop3A_191 = arith.constant 0 : index
        %parallel_loop3A_192 = tpu.vector_load %arg9[%parallel_loop3A_190, %parallel_loop3A_191] {strides = array<i32>} : memref<200x96xf32, #tpu.memory_space<vmem>>, vector<1x16xf32>,
        %parallel_loop3A_193 = vector.shape_cast %parallel_loop3A_192 : vector<1x16xf32> to vector<16xf32>
        %parallel_loop3A_194 = arith.addf %parallel_loop3A_187, %parallel_loop3A_193 : vector<16xf32>
        %parallel_loop3A_195 = arith.constant 0 : i32
        %parallel_loop3A_196 = arith.index_cast %parallel_loop3A_195 : i32 to index
        %parallel_loop3A_197 = arith.index_cast %parallel_loop3A_181 : i32 to index
        %parallel_loop3A_198 = arith.constant 0 : index
        %parallel_loop3A_199 = tpu.vector_load %arg12[%parallel_loop3A_196, %parallel_loop3A_197, %parallel_loop3A_198] {strides = array<i32>} : memref<2x100x100xf32, #tpu.memory_space<vmem>>, vector<1x1x16xf32>,
        %parallel_loop3A_200 = vector.shape_cast %parallel_loop3A_199 : vector<1x1x16xf32> to vector<16xf32>
        %parallel_loop3A_201 = vector.shape_cast %parallel_loop3A_194 : vector<16xf32> to vector<1x1x16xf32>
        tpu.vector_store %arg12[%parallel_loop3A_196, %parallel_loop3A_197, %parallel_loop3A_198], %parallel_loop3A_201 {strides = array<i32>} : memref<2x100x100xf32, #tpu.memory_space<vmem>>, vector<1x1x16xf32>,
        %parallel_loop3A_202 = arith.constant 0 : i32
        %parallel_loop3A_203 = arith.index_cast %parallel_loop3A_202 : i32 to index
        %parallel_loop3A_204 = arith.index_cast %parallel_loop3A_181 : i32 to index
        %parallel_loop3A_205 = arith.constant 16 : index
        %parallel_loop3A_206 = tpu.vector_load %arg11[%parallel_loop3A_203, %parallel_loop3A_204, %parallel_loop3A_205] {strides = array<i32>} : memref<2x104x104xf32, #tpu.memory_space<vmem>>, vector<1x1x16xf32>,
        %parallel_loop3A_207 = vector.shape_cast %parallel_loop3A_206 : vector<1x1x16xf32> to vector<16xf32>
        %parallel_loop3A_208 = arith.constant 0 : i32
        %parallel_loop3A_209 = arith.addi %parallel_loop3A_208, %parallel_loop3A_181 : i32
        %parallel_loop3A_210 = arith.index_cast %parallel_loop3A_209 : i32 to index
        %parallel_loop3A_211 = arith.constant 16 : index
        %parallel_loop3A_212 = tpu.vector_load %arg9[%parallel_loop3A_210, %parallel_loop3A_211] {strides = array<i32>} : memref<200x96xf32, #tpu.memory_space<vmem>>, vector<1x16xf32>,
        %parallel_loop3A_213 = vector.shape_cast %parallel_loop3A_212 : vector<1x16xf32> to vector<16xf32>
        %parallel_loop3A_214 = arith.addf %parallel_loop3A_207, %parallel_loop3A_213 : vector<16xf32>
        %parallel_loop3A_215 = arith.constant 0 : i32
        %parallel_loop3A_216 = arith.index_cast %parallel_loop3A_215 : i32 to index
        %parallel_loop3A_217 = arith.index_cast %parallel_loop3A_181 : i32 to index
        %parallel_loop3A_218 = arith.constant 16 : index
        %parallel_loop3A_219 = tpu.vector_load %arg12[%parallel_loop3A_216, %parallel_loop3A_217, %parallel_loop3A_218] {strides = array<i32>} : memref<2x100x100xf32, #tpu.memory_space<vmem>>, vector<1x1x16xf32>,
        %parallel_loop3A_220 = vector.shape_cast %parallel_loop3A_219 : vector<1x1x16xf32> to vector<16xf32>
        %parallel_loop3A_221 = vector.shape_cast %parallel_loop3A_214 : vector<16xf32> to vector<1x1x16xf32>
        tpu.vector_store %arg12[%parallel_loop3A_216, %parallel_loop3A_217, %parallel_loop3A_218], %parallel_loop3A_221 {strides = array<i32>} : memref<2x100x100xf32, #tpu.memory_space<vmem>>, vector<1x1x16xf32>,
        %parallel_loop3A_222 = arith.constant 0 : i32
        %parallel_loop3A_223 = arith.index_cast %parallel_loop3A_222 : i32 to index
        %parallel_loop3A_224 = arith.index_cast %parallel_loop3A_181 : i32 to index
        %parallel_loop3A_225 = arith.constant 32 : index
        %parallel_loop3A_226 = tpu.vector_load %arg11[%parallel_loop3A_223, %parallel_loop3A_224, %parallel_loop3A_225] {strides = array<i32>} : memref<2x104x104xf32, #tpu.memory_space<vmem>>, vector<1x1x16xf32>,
        %parallel_loop3A_227 = vector.shape_cast %parallel_loop3A_226 : vector<1x1x16xf32> to vector<16xf32>
        %parallel_loop3A_228 = arith.constant 0 : i32
        %parallel_loop3A_229 = arith.addi %parallel_loop3A_228, %parallel_loop3A_181 : i32
        %parallel_loop3A_230 = arith.index_cast %parallel_loop3A_229 : i32 to index
        %parallel_loop3A_231 = arith.constant 32 : index
        %parallel_loop3A_232 = tpu.vector_load %arg9[%parallel_loop3A_230, %parallel_loop3A_231] {strides = array<i32>} : memref<200x96xf32, #tpu.memory_space<vmem>>, vector<1x16xf32>,
        %parallel_loop3A_233 = vector.shape_cast %parallel_loop3A_232 : vector<1x16xf32> to vector<16xf32>
        %parallel_loop3A_234 = arith.addf %parallel_loop3A_227, %parallel_loop3A_233 : vector<16xf32>
        %parallel_loop3A_235 = arith.constant 0 : i32
        %parallel_loop3A_236 = arith.index_cast %parallel_loop3A_235 : i32 to index
        %parallel_loop3A_237 = arith.index_cast %parallel_loop3A_181 : i32 to index
        %parallel_loop3A_238 = arith.constant 32 : index
        %parallel_loop3A_239 = tpu.vector_load %arg12[%parallel_loop3A_236, %parallel_loop3A_237, %parallel_loop3A_238] {strides = array<i32>} : memref<2x100x100xf32, #tpu.memory_space<vmem>>, vector<1x1x16xf32>,
        %parallel_loop3A_240 = vector.shape_cast %parallel_loop3A_239 : vector<1x1x16xf32> to vector<16xf32>
        %parallel_loop3A_241 = vector.shape_cast %parallel_loop3A_234 : vector<16xf32> to vector<1x1x16xf32>
        tpu.vector_store %arg12[%parallel_loop3A_236, %parallel_loop3A_237, %parallel_loop3A_238], %parallel_loop3A_241 {strides = array<i32>} : memref<2x100x100xf32, #tpu.memory_space<vmem>>, vector<1x1x16xf32>,
        %parallel_loop3A_242 = arith.constant 0 : i32
        %parallel_loop3A_243 = arith.index_cast %parallel_loop3A_242 : i32 to index
        %parallel_loop3A_244 = arith.index_cast %parallel_loop3A_181 : i32 to index
        %parallel_loop3A_245 = arith.constant 48 : index
        %parallel_loop3A_246 = tpu.vector_load %arg11[%parallel_loop3A_243, %parallel_loop3A_244, %parallel_loop3A_245] {strides = array<i32>} : memref<2x104x104xf32, #tpu.memory_space<vmem>>, vector<1x1x16xf32>,
        %parallel_loop3A_247 = vector.shape_cast %parallel_loop3A_246 : vector<1x1x16xf32> to vector<16xf32>
        %parallel_loop3A_248 = arith.constant 0 : i32
        %parallel_loop3A_249 = arith.addi %parallel_loop3A_248, %parallel_loop3A_181 : i32
        %parallel_loop3A_250 = arith.index_cast %parallel_loop3A_249 : i32 to index
        %parallel_loop3A_251 = arith.constant 48 : index
        %parallel_loop3A_252 = tpu.vector_load %arg9[%parallel_loop3A_250, %parallel_loop3A_251] {strides = array<i32>} : memref<200x96xf32, #tpu.memory_space<vmem>>, vector<1x16xf32>,
        %parallel_loop3A_253 = vector.shape_cast %parallel_loop3A_252 : vector<1x16xf32> to vector<16xf32>
        %parallel_loop3A_254 = arith.addf %parallel_loop3A_247, %parallel_loop3A_253 : vector<16xf32>
        %parallel_loop3A_255 = arith.constant 0 : i32
        %parallel_loop3A_256 = arith.index_cast %parallel_loop3A_255 : i32 to index
        %parallel_loop3A_257 = arith.index_cast %parallel_loop3A_181 : i32 to index
        %parallel_loop3A_258 = arith.constant 48 : index
        %parallel_loop3A_259 = tpu.vector_load %arg12[%parallel_loop3A_256, %parallel_loop3A_257, %parallel_loop3A_258] {strides = array<i32>} : memref<2x100x100xf32, #tpu.memory_space<vmem>>, vector<1x1x16xf32>,
        %parallel_loop3A_260 = vector.shape_cast %parallel_loop3A_259 : vector<1x1x16xf32> to vector<16xf32>
        %parallel_loop3A_261 = vector.shape_cast %parallel_loop3A_254 : vector<16xf32> to vector<1x1x16xf32>
        tpu.vector_store %arg12[%parallel_loop3A_256, %parallel_loop3A_257, %parallel_loop3A_258], %parallel_loop3A_261 {strides = array<i32>} : memref<2x100x100xf32, #tpu.memory_space<vmem>>, vector<1x1x16xf32>,
        %parallel_loop3A_262 = arith.constant 0 : i32
        %parallel_loop3A_263 = arith.index_cast %parallel_loop3A_262 : i32 to index
        %parallel_loop3A_264 = arith.index_cast %parallel_loop3A_181 : i32 to index
        %parallel_loop3A_265 = arith.constant 64 : index
        %parallel_loop3A_266 = tpu.vector_load %arg11[%parallel_loop3A_263, %parallel_loop3A_264, %parallel_loop3A_265] {strides = array<i32>} : memref<2x104x104xf32, #tpu.memory_space<vmem>>, vector<1x1x16xf32>,
        %parallel_loop3A_267 = vector.shape_cast %parallel_loop3A_266 : vector<1x1x16xf32> to vector<16xf32>
        %parallel_loop3A_268 = arith.constant 0 : i32
        %parallel_loop3A_269 = arith.addi %parallel_loop3A_268, %parallel_loop3A_181 : i32
        %parallel_loop3A_270 = arith.index_cast %parallel_loop3A_269 : i32 to index
        %parallel_loop3A_271 = arith.constant 64 : index
        %parallel_loop3A_272 = tpu.vector_load %arg9[%parallel_loop3A_270, %parallel_loop3A_271] {strides = array<i32>} : memref<200x96xf32, #tpu.memory_space<vmem>>, vector<1x16xf32>,
        %parallel_loop3A_273 = vector.shape_cast %parallel_loop3A_272 : vector<1x16xf32> to vector<16xf32>
        %parallel_loop3A_274 = arith.addf %parallel_loop3A_267, %parallel_loop3A_273 : vector<16xf32>
        %parallel_loop3A_275 = arith.constant 0 : i32
        %parallel_loop3A_276 = arith.index_cast %parallel_loop3A_275 : i32 to index
        %parallel_loop3A_277 = arith.index_cast %parallel_loop3A_181 : i32 to index
        %parallel_loop3A_278 = arith.constant 64 : index
        %parallel_loop3A_279 = tpu.vector_load %arg12[%parallel_loop3A_276, %parallel_loop3A_277, %parallel_loop3A_278] {strides = array<i32>} : memref<2x100x100xf32, #tpu.memory_space<vmem>>, vector<1x1x16xf32>,
        %parallel_loop3A_280 = vector.shape_cast %parallel_loop3A_279 : vector<1x1x16xf32> to vector<16xf32>
        %parallel_loop3A_281 = vector.shape_cast %parallel_loop3A_274 : vector<16xf32> to vector<1x1x16xf32>
        tpu.vector_store %arg12[%parallel_loop3A_276, %parallel_loop3A_277, %parallel_loop3A_278], %parallel_loop3A_281 {strides = array<i32>} : memref<2x100x100xf32, #tpu.memory_space<vmem>>, vector<1x1x16xf32>,
        %parallel_loop3A_282 = arith.constant 0 : i32
        %parallel_loop3A_283 = arith.index_cast %parallel_loop3A_282 : i32 to index
        %parallel_loop3A_284 = arith.index_cast %parallel_loop3A_181 : i32 to index
        %parallel_loop3A_285 = arith.constant 80 : index
        %parallel_loop3A_286 = tpu.vector_load %arg11[%parallel_loop3A_283, %parallel_loop3A_284, %parallel_loop3A_285] {strides = array<i32>} : memref<2x104x104xf32, #tpu.memory_space<vmem>>, vector<1x1x16xf32>,
        %parallel_loop3A_287 = vector.shape_cast %parallel_loop3A_286 : vector<1x1x16xf32> to vector<16xf32>
        %parallel_loop3A_288 = arith.constant 0 : i32
        %parallel_loop3A_289 = arith.addi %parallel_loop3A_288, %parallel_loop3A_181 : i32
        %parallel_loop3A_290 = arith.index_cast %parallel_loop3A_289 : i32 to index
        %parallel_loop3A_291 = arith.constant 80 : index
        %parallel_loop3A_292 = tpu.vector_load %arg9[%parallel_loop3A_290, %parallel_loop3A_291] {strides = array<i32>} : memref<200x96xf32, #tpu.memory_space<vmem>>, vector<1x16xf32>,
        %parallel_loop3A_293 = vector.shape_cast %parallel_loop3A_292 : vector<1x16xf32> to vector<16xf32>
        %parallel_loop3A_294 = arith.addf %parallel_loop3A_287, %parallel_loop3A_293 : vector<16xf32>
        %parallel_loop3A_295 = arith.constant 0 : i32
        %parallel_loop3A_296 = arith.index_cast %parallel_loop3A_295 : i32 to index
        %parallel_loop3A_297 = arith.index_cast %parallel_loop3A_181 : i32 to index
        %parallel_loop3A_298 = arith.constant 80 : index
        %parallel_loop3A_299 = tpu.vector_load %arg12[%parallel_loop3A_296, %parallel_loop3A_297, %parallel_loop3A_298] {strides = array<i32>} : memref<2x100x100xf32, #tpu.memory_space<vmem>>, vector<1x1x16xf32>,
        %parallel_loop3A_300 = vector.shape_cast %parallel_loop3A_299 : vector<1x1x16xf32> to vector<16xf32>
        %parallel_loop3A_301 = vector.shape_cast %parallel_loop3A_294 : vector<16xf32> to vector<1x1x16xf32>
        tpu.vector_store %arg12[%parallel_loop3A_296, %parallel_loop3A_297, %parallel_loop3A_298], %parallel_loop3A_301 {strides = array<i32>} : memref<2x100x100xf32, #tpu.memory_space<vmem>>, vector<1x1x16xf32>,
        %parallel_loop3A_302 = arith.constant 0 : i32
        %parallel_loop3A_303 = arith.index_cast %parallel_loop3A_302 : i32 to index
        %parallel_loop3A_304 = arith.index_cast %parallel_loop3A_181 : i32 to index
        %parallel_loop3A_305 = arith.constant 84 : index
        %parallel_loop3A_306 = tpu.vector_load %arg11[%parallel_loop3A_303, %parallel_loop3A_304, %parallel_loop3A_305] {strides = array<i32>} : memref<2x104x104xf32, #tpu.memory_space<vmem>>, vector<1x1x16xf32>,
        %parallel_loop3A_307 = vector.shape_cast %parallel_loop3A_306 : vector<1x1x16xf32> to vector<16xf32>
        %parallel_loop3A_308 = arith.constant 0 : i32
        %parallel_loop3A_309 = arith.addi %parallel_loop3A_308, %parallel_loop3A_181 : i32
        %parallel_loop3A_310 = arith.index_cast %parallel_loop3A_309 : i32 to index
        %parallel_loop3A_311 = arith.constant 0 : index
        %parallel_loop3A_312 = tpu.vector_load %arg10[%parallel_loop3A_310, %parallel_loop3A_311] {strides = array<i32>} : memref<200x16xf32, #tpu.memory_space<vmem>>, vector<1x16xf32>,
        %parallel_loop3A_313 = vector.shape_cast %parallel_loop3A_312 : vector<1x16xf32> to vector<16xf32>
        %parallel_loop3A_314 = arith.addf %parallel_loop3A_307, %parallel_loop3A_313 : vector<16xf32>
        %parallel_loop3A_315 = arith.constant 0 : i32
        %parallel_loop3A_316 = arith.index_cast %parallel_loop3A_315 : i32 to index
        %parallel_loop3A_317 = arith.index_cast %parallel_loop3A_181 : i32 to index
        %parallel_loop3A_318 = arith.constant 84 : index
        %parallel_loop3A_319 = tpu.vector_load %arg12[%parallel_loop3A_316, %parallel_loop3A_317, %parallel_loop3A_318] {strides = array<i32>} : memref<2x100x100xf32, #tpu.memory_space<vmem>>, vector<1x1x16xf32>,
        %parallel_loop3A_320 = vector.shape_cast %parallel_loop3A_319 : vector<1x1x16xf32> to vector<16xf32>
        %parallel_loop3A_321 = vector.shape_cast %parallel_loop3A_314 : vector<16xf32> to vector<1x1x16xf32>
        tpu.vector_store %arg12[%parallel_loop3A_316, %parallel_loop3A_317, %parallel_loop3A_318], %parallel_loop3A_321 {strides = array<i32>} : memref<2x100x100xf32, #tpu.memory_space<vmem>>, vector<1x1x16xf32>,
      } {sc.loop_unroll_factor = 4 : i64, sc.parallel_access}
      %add3A_107 = arith.addi %mul3A_7, %scan3A_73 : i32
      %dma_start3A_108 = arith.constant 0 : i32
      %dma_start3A_109 = arith.constant 0 : i32
      %dma_start3A_110 = arith.constant 0 : i32
      %dma_start3A_111 = tpu.memref_slice %arg12[%dma_start3A_108, %dma_start3A_109, %dma_start3A_110] : memref<2x100x100xf32, #tpu.memory_space<vmem>> -> memref<1x100x100xf32, #tpu.memory_space<vmem>>
      %dma_start3A_112 = tpu.memref_squeeze %dma_start3A_111 : memref<1x100x100xf32, #tpu.memory_space<vmem>> -> memref<100x100xf32, #tpu.memory_space<vmem>>
      %dma_start3A_113 = arith.constant 0 : i32
      %dma_start3A_114 = arith.constant 0 : i32
      %dma_start3A_115 = tpu.memref_slice %arg6[%add3A_107, %dma_start3A_113, %dma_start3A_114] : memref<4096x200x100xf32, #tpu.memory_space<hbm>> -> memref<1x100x100xf32, #tpu.memory_space<hbm>>
      %dma_start3A_116 = tpu.memref_squeeze %dma_start3A_115 : memref<1x100x100xf32, #tpu.memory_space<hbm>> -> memref<100x100xf32, #tpu.memory_space<hbm>>
      %dma_start3A_117 = arith.constant 0 : i32
      %dma_start3A_118 = arith.constant 0 : i32
      %dma_start3A_119 = tpu.memref_slice %arg6[%add3A_107, %dma_start3A_117, %dma_start3A_118] : memref<4096x200x100xf32, #tpu.memory_space<hbm>> -> memref<1x100x100xf32, #tpu.memory_space<hbm>>
      %dma_start3A_120 = tpu.memref_squeeze %dma_start3A_119 : memref<1x100x100xf32, #tpu.memory_space<hbm>> -> memref<100x100xf32, #tpu.memory_space<hbm>>
      %dma_start3A_121 = arith.constant 0 : i32
      %dma_start3A_122 = arith.constant 0 : i32
      %dma_start3A_123 = tpu.memref_slice %arg12[%dma_start3A_108, %dma_start3A_121, %dma_start3A_122] : memref<2x100x100xf32, #tpu.memory_space<vmem>> -> memref<1x100x100xf32, #tpu.memory_space<vmem>>
      %dma_start3A_124 = tpu.memref_squeeze %dma_start3A_123 : memref<1x100x100xf32, #tpu.memory_space<vmem>> -> memref<100x100xf32, #tpu.memory_space<vmem>>
      tpu.enqueue_dma source(%dma_start3A_124 : memref<100x100xf32, #tpu.memory_space<vmem>>) target(%dma_start3A_120 : memref<100x100xf32, #tpu.memory_space<hbm>>) target_semaphore(%arg15 : memref<!tpu.dma_semaphore, #tpu.memory_space<semaphore_mem>>)
      %mul3A_125 = arith.constant 2 : i32
      %mul3A_126 = arith.muli %scan3A_73, %mul3A_125 : i32
      %add3A_127 = arith.constant 1 : i32
      %add3A_128 = arith.addi %mul3A_126, %add3A_127 : i32
      %add3A_129 = arith.constant 1 : i32
      %add3A_130 = arith.addi %add3A_128, %add3A_129 : i32
      %lt3A_131 = arith.constant 256 : i32
      %lt3A_132 = arith.cmpi slt, %add3A_130, %lt3A_131 : i32
      %convert_element_type3A_133 = arith.extui %lt3A_132 : i1 to i32
      %cond3A_134 = arith.constant 0 : i32
      %cond3A_135 = arith.cmpi ne, %convert_element_type3A_133, %cond3A_134 : i32
      scf.if %cond3A_135 {
        %dma_wait3A_181 = arith.constant 0 : i32
        %dma_wait3A_182 = arith.constant 0 : i32
        %dma_wait3A_183 = arith.constant 0 : i32
        %dma_wait3A_184 = tpu.memref_slice %arg8[%dma_wait3A_182, %dma_wait3A_183] : memref<2x104xi32, #tpu.memory_space<vmem>> -> memref<1x104xi32, #tpu.memory_space<vmem>>
        %dma_wait3A_185 = tpu.memref_squeeze %dma_wait3A_184 : memref<1x104xi32, #tpu.memory_space<vmem>> -> memref<104xi32, #tpu.memory_space<vmem>>
        %dma_wait3A_186 = arith.constant 0 : i32
        %dma_wait3A_187 = tpu.memref_slice %arg3[%add3A, %dma_wait3A_181, %dma_wait3A_186] : memref<32x256x104xi32, #tpu.memory_space<hbm>> -> memref<1x1x104xi32, #tpu.memory_space<hbm>>
        %dma_wait3A_188 = tpu.memref_squeeze %dma_wait3A_187 : memref<1x1x104xi32, #tpu.memory_space<hbm>> -> memref<104xi32, #tpu.memory_space<hbm>>
        %dma_wait3A_189 = arith.constant 0 : i32
        %dma_wait3A_190 = tpu.memref_slice %arg8[%dma_wait3A_182, %dma_wait3A_189] : memref<2x104xi32, #tpu.memory_space<vmem>> -> memref<1x104xi32, #tpu.memory_space<vmem>>
        %dma_wait3A_191 = tpu.memref_squeeze %dma_wait3A_190 : memref<1x104xi32, #tpu.memory_space<vmem>> -> memref<104xi32, #tpu.memory_space<vmem>>
        %dma_wait3A_192 = arith.constant 0 : i32
        %dma_wait3A_193 = tpu.memref_slice %arg3[%add3A, %dma_wait3A_181, %dma_wait3A_192] : memref<32x256x104xi32, #tpu.memory_space<hbm>> -> memref<1x1x104xi32, #tpu.memory_space<hbm>>
        %dma_wait3A_194 = tpu.memref_squeeze %dma_wait3A_193 : memref<1x1x104xi32, #tpu.memory_space<hbm>> -> memref<104xi32, #tpu.memory_space<hbm>>
        tpu.wait_dma2 semaphore(%arg17 : memref<!tpu.dma_semaphore, #tpu.memory_space<semaphore_mem>>) src(%dma_wait3A_194 : memref<104xi32, #tpu.memory_space<hbm>>) dst(%dma_wait3A_191 : memref<104xi32, #tpu.memory_space<vmem>>)
        %dma_start3A_195 = arith.constant 0 : i32
        %dma_start3A_196 = arith.constant 0 : i32
        %dma_start3A_197 = arith.constant 0 : i32
        %dma_start3A_198 = arith.constant 0 : i32
        %dma_start3A_199 = tpu.memref_slice %arg11[%dma_start3A_196, %dma_start3A_197, %dma_start3A_198] : memref<2x104x104xf32, #tpu.memory_space<vmem>> -> memref<1x104x104xf32, #tpu.memory_space<vmem>>
        %dma_start3A_200 = tpu.memref_squeeze %dma_start3A_199 : memref<1x104x104xf32, #tpu.memory_space<vmem>> -> memref<104x104xf32, #tpu.memory_space<vmem>>
        %dma_start3A_201 = arith.constant 0 : i32
        %dma_start3A_202 = tpu.memref_slice %arg8[%dma_start3A_195, %dma_start3A_201] : memref<2x104xi32, #tpu.memory_space<vmem>> -> memref<1x104xi32, #tpu.memory_space<vmem>>
        %dma_start3A_203 = tpu.memref_squeeze %dma_start3A_202 : memref<1x104xi32, #tpu.memory_space<vmem>> -> memref<104xi32, #tpu.memory_space<vmem>>
        %dma_start3A_204 = arith.constant 0 : i32
        %dma_start3A_205 = arith.constant 0 : i32
        %dma_start3A_206 = tpu.memref_slice %arg7[%dma_start3A_204, %dma_start3A_205] : memref<10000x104xf32, #tpu.memory_space<vmem_shared>> -> memref<10000x104xf32, #tpu.memory_space<vmem_shared>>
        tpu.enqueue_indirect_dma source(%dma_start3A_206 : memref<10000x104xf32, #tpu.memory_space<vmem_shared>>) target(%dma_start3A_200 : memref<104x104xf32, #tpu.memory_space<vmem>>) offsets(%dma_start3A_203 : memref<104xi32, #tpu.memory_space<vmem>>) semaphore(%arg13 : memref<!tpu.dma_semaphore, #tpu.memory_space<semaphore_mem>>)
      } else {
      }
      %dma_wait3A_136 = arith.constant 0 : i32
      %dma_wait3A_137 = arith.constant 1 : i32
      %dma_wait3A_138 = arith.constant 0 : i32
      %dma_wait3A_139 = arith.constant 0 : i32
      %dma_wait3A_140 = tpu.memref_slice %arg11[%dma_wait3A_137, %dma_wait3A_138, %dma_wait3A_139] : memref<2x104x104xf32, #tpu.memory_space<vmem>> -> memref<1x104x104xf32, #tpu.memory_space<vmem>>
      %dma_wait3A_141 = tpu.memref_squeeze %dma_wait3A_140 : memref<1x104x104xf32, #tpu.memory_space<vmem>> -> memref<104x104xf32, #tpu.memory_space<vmem>>
      %dma_wait3A_142 = arith.constant 0 : i32
      %dma_wait3A_143 = tpu.memref_slice %arg8[%dma_wait3A_136, %dma_wait3A_142] : memref<2x104xi32, #tpu.memory_space<vmem>> -> memref<1x104xi32, #tpu.memory_space<vmem>>
      %dma_wait3A_144 = tpu.memref_squeeze %dma_wait3A_143 : memref<1x104xi32, #tpu.memory_space<vmem>> -> memref<104xi32, #tpu.memory_space<vmem>>
      %dma_wait3A_145 = arith.constant 0 : i32
      %dma_wait3A_146 = arith.constant 0 : i32
      %dma_wait3A_147 = tpu.memref_slice %arg7[%dma_wait3A_145, %dma_wait3A_146] : memref<10000x104xf32, #tpu.memory_space<vmem_shared>> -> memref<10000x104xf32, #tpu.memory_space<vmem_shared>>
      tpu.wait_indirect_dma semaphore(%arg14 : memref<!tpu.dma_semaphore, #tpu.memory_space<semaphore_mem>>) src(%dma_wait3A_147 : memref<10000x104xf32, #tpu.memory_space<vmem_shared>>) dst(%dma_wait3A_141 : memref<104x104xf32, #tpu.memory_space<vmem>>)
      %add3A_148 = arith.constant 2 : i32
      %add3A_149 = arith.addi %add3A_128, %add3A_148 : i32
      %lt3A_150 = arith.constant 256 : i32
      %lt3A_151 = arith.cmpi slt, %add3A_149, %lt3A_150 : i32
      %convert_element_type3A_152 = arith.extui %lt3A_151 : i1 to i32
      %cond3A_153 = arith.constant 0 : i32
      %cond3A_154 = arith.cmpi ne, %convert_element_type3A_152, %cond3A_153 : i32
      scf.if %cond3A_154 {
        %add3A_181 = arith.constant 2 : i32
        %add3A_182 = arith.addi %add3A_128, %add3A_181 : i32
        %dma_start3A_183 = arith.constant 1 : i32
        %dma_start3A_184 = arith.constant 0 : i32
        %dma_start3A_185 = tpu.memref_slice %arg8[%dma_start3A_183, %dma_start3A_184] : memref<2x104xi32, #tpu.memory_space<vmem>> -> memref<1x104xi32, #tpu.memory_space<vmem>>
        %dma_start3A_186 = tpu.memref_squeeze %dma_start3A_185 : memref<1x104xi32, #tpu.memory_space<vmem>> -> memref<104xi32, #tpu.memory_space<vmem>>
        %dma_start3A_187 = arith.constant 0 : i32
        %dma_start3A_188 = tpu.memref_slice %arg3[%add3A, %add3A_182, %dma_start3A_187] : memref<32x256x104xi32, #tpu.memory_space<hbm>> -> memref<1x1x104xi32, #tpu.memory_space<hbm>>
        %dma_start3A_189 = tpu.memref_squeeze %dma_start3A_188 : memref<1x1x104xi32, #tpu.memory_space<hbm>> -> memref<104xi32, #tpu.memory_space<hbm>>
        %dma_start3A_190 = arith.constant 0 : i32
        %dma_start3A_191 = tpu.memref_slice %arg8[%dma_start3A_183, %dma_start3A_190] : memref<2x104xi32, #tpu.memory_space<vmem>> -> memref<1x104xi32, #tpu.memory_space<vmem>>
        %dma_start3A_192 = tpu.memref_squeeze %dma_start3A_191 : memref<1x104xi32, #tpu.memory_space<vmem>> -> memref<104xi32, #tpu.memory_space<vmem>>
        %dma_start3A_193 = arith.constant 0 : i32
        %dma_start3A_194 = tpu.memref_slice %arg3[%add3A, %add3A_182, %dma_start3A_193] : memref<32x256x104xi32, #tpu.memory_space<hbm>> -> memref<1x1x104xi32, #tpu.memory_space<hbm>>
        %dma_start3A_195 = tpu.memref_squeeze %dma_start3A_194 : memref<1x1x104xi32, #tpu.memory_space<hbm>> -> memref<104xi32, #tpu.memory_space<hbm>>
        tpu.enqueue_dma source(%dma_start3A_195 : memref<104xi32, #tpu.memory_space<hbm>>) target(%dma_start3A_192 : memref<104xi32, #tpu.memory_space<vmem>>) target_semaphore(%arg18 : memref<!tpu.dma_semaphore, #tpu.memory_space<semaphore_mem>>)
      } else {
      }
      %ge3A_155 = arith.constant 1 : i32
      %ge3A_156 = arith.cmpi sge, %scan3A_73, %ge3A_155 : i32
      %convert_element_type3A_157 = arith.extui %ge3A_156 : i1 to i32
      %cond3A_158 = arith.constant 0 : i32
      %cond3A_159 = arith.cmpi ne, %convert_element_type3A_157, %cond3A_158 : i32
      scf.if %cond3A_159 {
        %dma_wait3A_181 = arith.constant 1 : i32
        %dma_wait3A_182 = arith.constant 0 : i32
        %dma_wait3A_183 = arith.constant 0 : i32
        %dma_wait3A_184 = arith.constant 0 : i32
        %dma_wait3A_185 = tpu.memref_slice %arg12[%dma_wait3A_181, %dma_wait3A_183, %dma_wait3A_184] : memref<2x100x100xf32, #tpu.memory_space<vmem>> -> memref<1x100x100xf32, #tpu.memory_space<vmem>>
        %dma_wait3A_186 = tpu.memref_squeeze %dma_wait3A_185 : memref<1x100x100xf32, #tpu.memory_space<vmem>> -> memref<100x100xf32, #tpu.memory_space<vmem>>
        %dma_wait3A_187 = arith.constant 0 : i32
        %dma_wait3A_188 = arith.constant 0 : i32
        %dma_wait3A_189 = tpu.memref_slice %arg6[%dma_wait3A_182, %dma_wait3A_187, %dma_wait3A_188] : memref<4096x200x100xf32, #tpu.memory_space<hbm>> -> memref<1x100x100xf32, #tpu.memory_space<hbm>>
        %dma_wait3A_190 = tpu.memref_squeeze %dma_wait3A_189 : memref<1x100x100xf32, #tpu.memory_space<hbm>> -> memref<100x100xf32, #tpu.memory_space<hbm>>
        %dma_wait3A_191 = arith.constant 0 : i32
        %dma_wait3A_192 = arith.constant 0 : i32
        %dma_wait3A_193 = tpu.memref_slice %arg6[%dma_wait3A_182, %dma_wait3A_191, %dma_wait3A_192] : memref<4096x200x100xf32, #tpu.memory_space<hbm>> -> memref<1x100x100xf32, #tpu.memory_space<hbm>>
        %dma_wait3A_194 = tpu.memref_squeeze %dma_wait3A_193 : memref<1x100x100xf32, #tpu.memory_space<hbm>> -> memref<100x100xf32, #tpu.memory_space<hbm>>
        %dma_wait3A_195 = arith.constant 0 : i32
        %dma_wait3A_196 = arith.constant 0 : i32
        %dma_wait3A_197 = tpu.memref_slice %arg12[%dma_wait3A_181, %dma_wait3A_195, %dma_wait3A_196] : memref<2x100x100xf32, #tpu.memory_space<vmem>> -> memref<1x100x100xf32, #tpu.memory_space<vmem>>
        %dma_wait3A_198 = tpu.memref_squeeze %dma_wait3A_197 : memref<1x100x100xf32, #tpu.memory_space<vmem>> -> memref<100x100xf32, #tpu.memory_space<vmem>>
        tpu.wait_dma2 semaphore(%arg16 : memref<!tpu.dma_semaphore, #tpu.memory_space<semaphore_mem>>) src(%dma_wait3A_198 : memref<100x100xf32, #tpu.memory_space<vmem>>) dst(%dma_wait3A_194 : memref<100x100xf32, #tpu.memory_space<hbm>>)
      } else {
      }
      %parallel_loop3A_160 = arith.constant 0 : i32
      %parallel_loop3A_161 = arith.constant 100 : i32
      %parallel_loop3A_162 = arith.constant 1 : i32
      scf.for %parallel_loop3A_181 = %parallel_loop3A_160 to %parallel_loop3A_161 step %parallel_loop3A_162  : i32 {
        %parallel_loop3A_182 = arith.constant 1 : i32
        %parallel_loop3A_183 = arith.index_cast %parallel_loop3A_182 : i32 to index
        %parallel_loop3A_184 = arith.index_cast %parallel_loop3A_181 : i32 to index
        %parallel_loop3A_185 = arith.constant 0 : index
        %parallel_loop3A_186 = tpu.vector_load %arg11[%parallel_loop3A_183, %parallel_loop3A_184, %parallel_loop3A_185] {strides = array<i32>} : memref<2x104x104xf32, #tpu.memory_space<vmem>>, vector<1x1x16xf32>,
        %parallel_loop3A_187 = vector.shape_cast %parallel_loop3A_186 : vector<1x1x16xf32> to vector<16xf32>
        %parallel_loop3A_188 = arith.constant 100 : i32
        %parallel_loop3A_189 = arith.addi %parallel_loop3A_188, %parallel_loop3A_181 : i32
        %parallel_loop3A_190 = arith.index_cast %parallel_loop3A_189 : i32 to index
        %parallel_loop3A_191 = arith.constant 0 : index
        %parallel_loop3A_192 = tpu.vector_load %arg9[%parallel_loop3A_190, %parallel_loop3A_191] {strides = array<i32>} : memref<200x96xf32, #tpu.memory_space<vmem>>, vector<1x16xf32>,
        %parallel_loop3A_193 = vector.shape_cast %parallel_loop3A_192 : vector<1x16xf32> to vector<16xf32>
        %parallel_loop3A_194 = arith.addf %parallel_loop3A_187, %parallel_loop3A_193 : vector<16xf32>
        %parallel_loop3A_195 = arith.constant 1 : i32
        %parallel_loop3A_196 = arith.index_cast %parallel_loop3A_195 : i32 to index
        %parallel_loop3A_197 = arith.index_cast %parallel_loop3A_181 : i32 to index
        %parallel_loop3A_198 = arith.constant 0 : index
        %parallel_loop3A_199 = tpu.vector_load %arg12[%parallel_loop3A_196, %parallel_loop3A_197, %parallel_loop3A_198] {strides = array<i32>} : memref<2x100x100xf32, #tpu.memory_space<vmem>>, vector<1x1x16xf32>,
        %parallel_loop3A_200 = vector.shape_cast %parallel_loop3A_199 : vector<1x1x16xf32> to vector<16xf32>
        %parallel_loop3A_201 = vector.shape_cast %parallel_loop3A_194 : vector<16xf32> to vector<1x1x16xf32>
        tpu.vector_store %arg12[%parallel_loop3A_196, %parallel_loop3A_197, %parallel_loop3A_198], %parallel_loop3A_201 {strides = array<i32>} : memref<2x100x100xf32, #tpu.memory_space<vmem>>, vector<1x1x16xf32>,
        %parallel_loop3A_202 = arith.constant 1 : i32
        %parallel_loop3A_203 = arith.index_cast %parallel_loop3A_202 : i32 to index
        %parallel_loop3A_204 = arith.index_cast %parallel_loop3A_181 : i32 to index
        %parallel_loop3A_205 = arith.constant 16 : index
        %parallel_loop3A_206 = tpu.vector_load %arg11[%parallel_loop3A_203, %parallel_loop3A_204, %parallel_loop3A_205] {strides = array<i32>} : memref<2x104x104xf32, #tpu.memory_space<vmem>>, vector<1x1x16xf32>,
        %parallel_loop3A_207 = vector.shape_cast %parallel_loop3A_206 : vector<1x1x16xf32> to vector<16xf32>
        %parallel_loop3A_208 = arith.constant 100 : i32
        %parallel_loop3A_209 = arith.addi %parallel_loop3A_208, %parallel_loop3A_181 : i32
        %parallel_loop3A_210 = arith.index_cast %parallel_loop3A_209 : i32 to index
        %parallel_loop3A_211 = arith.constant 16 : index
        %parallel_loop3A_212 = tpu.vector_load %arg9[%parallel_loop3A_210, %parallel_loop3A_211] {strides = array<i32>} : memref<200x96xf32, #tpu.memory_space<vmem>>, vector<1x16xf32>,
        %parallel_loop3A_213 = vector.shape_cast %parallel_loop3A_212 : vector<1x16xf32> to vector<16xf32>
        %parallel_loop3A_214 = arith.addf %parallel_loop3A_207, %parallel_loop3A_213 : vector<16xf32>
        %parallel_loop3A_215 = arith.constant 1 : i32
        %parallel_loop3A_216 = arith.index_cast %parallel_loop3A_215 : i32 to index
        %parallel_loop3A_217 = arith.index_cast %parallel_loop3A_181 : i32 to index
        %parallel_loop3A_218 = arith.constant 16 : index
        %parallel_loop3A_219 = tpu.vector_load %arg12[%parallel_loop3A_216, %parallel_loop3A_217, %parallel_loop3A_218] {strides = array<i32>} : memref<2x100x100xf32, #tpu.memory_space<vmem>>, vector<1x1x16xf32>,
        %parallel_loop3A_220 = vector.shape_cast %parallel_loop3A_219 : vector<1x1x16xf32> to vector<16xf32>
        %parallel_loop3A_221 = vector.shape_cast %parallel_loop3A_214 : vector<16xf32> to vector<1x1x16xf32>
        tpu.vector_store %arg12[%parallel_loop3A_216, %parallel_loop3A_217, %parallel_loop3A_218], %parallel_loop3A_221 {strides = array<i32>} : memref<2x100x100xf32, #tpu.memory_space<vmem>>, vector<1x1x16xf32>,
        %parallel_loop3A_222 = arith.constant 1 : i32
        %parallel_loop3A_223 = arith.index_cast %parallel_loop3A_222 : i32 to index
        %parallel_loop3A_224 = arith.index_cast %parallel_loop3A_181 : i32 to index
        %parallel_loop3A_225 = arith.constant 32 : index
        %parallel_loop3A_226 = tpu.vector_load %arg11[%parallel_loop3A_223, %parallel_loop3A_224, %parallel_loop3A_225] {strides = array<i32>} : memref<2x104x104xf32, #tpu.memory_space<vmem>>, vector<1x1x16xf32>,
        %parallel_loop3A_227 = vector.shape_cast %parallel_loop3A_226 : vector<1x1x16xf32> to vector<16xf32>
        %parallel_loop3A_228 = arith.constant 100 : i32
        %parallel_loop3A_229 = arith.addi %parallel_loop3A_228, %parallel_loop3A_181 : i32
        %parallel_loop3A_230 = arith.index_cast %parallel_loop3A_229 : i32 to index
        %parallel_loop3A_231 = arith.constant 32 : index
        %parallel_loop3A_232 = tpu.vector_load %arg9[%parallel_loop3A_230, %parallel_loop3A_231] {strides = array<i32>} : memref<200x96xf32, #tpu.memory_space<vmem>>, vector<1x16xf32>,
        %parallel_loop3A_233 = vector.shape_cast %parallel_loop3A_232 : vector<1x16xf32> to vector<16xf32>
        %parallel_loop3A_234 = arith.addf %parallel_loop3A_227, %parallel_loop3A_233 : vector<16xf32>
        %parallel_loop3A_235 = arith.constant 1 : i32
        %parallel_loop3A_236 = arith.index_cast %parallel_loop3A_235 : i32 to index
        %parallel_loop3A_237 = arith.index_cast %parallel_loop3A_181 : i32 to index
        %parallel_loop3A_238 = arith.constant 32 : index
        %parallel_loop3A_239 = tpu.vector_load %arg12[%parallel_loop3A_236, %parallel_loop3A_237, %parallel_loop3A_238] {strides = array<i32>} : memref<2x100x100xf32, #tpu.memory_space<vmem>>, vector<1x1x16xf32>,
        %parallel_loop3A_240 = vector.shape_cast %parallel_loop3A_239 : vector<1x1x16xf32> to vector<16xf32>
        %parallel_loop3A_241 = vector.shape_cast %parallel_loop3A_234 : vector<16xf32> to vector<1x1x16xf32>
        tpu.vector_store %arg12[%parallel_loop3A_236, %parallel_loop3A_237, %parallel_loop3A_238], %parallel_loop3A_241 {strides = array<i32>} : memref<2x100x100xf32, #tpu.memory_space<vmem>>, vector<1x1x16xf32>,
        %parallel_loop3A_242 = arith.constant 1 : i32
        %parallel_loop3A_243 = arith.index_cast %parallel_loop3A_242 : i32 to index
        %parallel_loop3A_244 = arith.index_cast %parallel_loop3A_181 : i32 to index
        %parallel_loop3A_245 = arith.constant 48 : index
        %parallel_loop3A_246 = tpu.vector_load %arg11[%parallel_loop3A_243, %parallel_loop3A_244, %parallel_loop3A_245] {strides = array<i32>} : memref<2x104x104xf32, #tpu.memory_space<vmem>>, vector<1x1x16xf32>,
        %parallel_loop3A_247 = vector.shape_cast %parallel_loop3A_246 : vector<1x1x16xf32> to vector<16xf32>
        %parallel_loop3A_248 = arith.constant 100 : i32
        %parallel_loop3A_249 = arith.addi %parallel_loop3A_248, %parallel_loop3A_181 : i32
        %parallel_loop3A_250 = arith.index_cast %parallel_loop3A_249 : i32 to index
        %parallel_loop3A_251 = arith.constant 48 : index
        %parallel_loop3A_252 = tpu.vector_load %arg9[%parallel_loop3A_250, %parallel_loop3A_251] {strides = array<i32>} : memref<200x96xf32, #tpu.memory_space<vmem>>, vector<1x16xf32>,
        %parallel_loop3A_253 = vector.shape_cast %parallel_loop3A_252 : vector<1x16xf32> to vector<16xf32>
        %parallel_loop3A_254 = arith.addf %parallel_loop3A_247, %parallel_loop3A_253 : vector<16xf32>
        %parallel_loop3A_255 = arith.constant 1 : i32
        %parallel_loop3A_256 = arith.index_cast %parallel_loop3A_255 : i32 to index
        %parallel_loop3A_257 = arith.index_cast %parallel_loop3A_181 : i32 to index
        %parallel_loop3A_258 = arith.constant 48 : index
        %parallel_loop3A_259 = tpu.vector_load %arg12[%parallel_loop3A_256, %parallel_loop3A_257, %parallel_loop3A_258] {strides = array<i32>} : memref<2x100x100xf32, #tpu.memory_space<vmem>>, vector<1x1x16xf32>,
        %parallel_loop3A_260 = vector.shape_cast %parallel_loop3A_259 : vector<1x1x16xf32> to vector<16xf32>
        %parallel_loop3A_261 = vector.shape_cast %parallel_loop3A_254 : vector<16xf32> to vector<1x1x16xf32>
        tpu.vector_store %arg12[%parallel_loop3A_256, %parallel_loop3A_257, %parallel_loop3A_258], %parallel_loop3A_261 {strides = array<i32>} : memref<2x100x100xf32, #tpu.memory_space<vmem>>, vector<1x1x16xf32>,
        %parallel_loop3A_262 = arith.constant 1 : i32
        %parallel_loop3A_263 = arith.index_cast %parallel_loop3A_262 : i32 to index
        %parallel_loop3A_264 = arith.index_cast %parallel_loop3A_181 : i32 to index
        %parallel_loop3A_265 = arith.constant 64 : index
        %parallel_loop3A_266 = tpu.vector_load %arg11[%parallel_loop3A_263, %parallel_loop3A_264, %parallel_loop3A_265] {strides = array<i32>} : memref<2x104x104xf32, #tpu.memory_space<vmem>>, vector<1x1x16xf32>,
        %parallel_loop3A_267 = vector.shape_cast %parallel_loop3A_266 : vector<1x1x16xf32> to vector<16xf32>
        %parallel_loop3A_268 = arith.constant 100 : i32
        %parallel_loop3A_269 = arith.addi %parallel_loop3A_268, %parallel_loop3A_181 : i32
        %parallel_loop3A_270 = arith.index_cast %parallel_loop3A_269 : i32 to index
        %parallel_loop3A_271 = arith.constant 64 : index
        %parallel_loop3A_272 = tpu.vector_load %arg9[%parallel_loop3A_270, %parallel_loop3A_271] {strides = array<i32>} : memref<200x96xf32, #tpu.memory_space<vmem>>, vector<1x16xf32>,
        %parallel_loop3A_273 = vector.shape_cast %parallel_loop3A_272 : vector<1x16xf32> to vector<16xf32>
        %parallel_loop3A_274 = arith.addf %parallel_loop3A_267, %parallel_loop3A_273 : vector<16xf32>
        %parallel_loop3A_275 = arith.constant 1 : i32
        %parallel_loop3A_276 = arith.index_cast %parallel_loop3A_275 : i32 to index
        %parallel_loop3A_277 = arith.index_cast %parallel_loop3A_181 : i32 to index
        %parallel_loop3A_278 = arith.constant 64 : index
        %parallel_loop3A_279 = tpu.vector_load %arg12[%parallel_loop3A_276, %parallel_loop3A_277, %parallel_loop3A_278] {strides = array<i32>} : memref<2x100x100xf32, #tpu.memory_space<vmem>>, vector<1x1x16xf32>,
        %parallel_loop3A_280 = vector.shape_cast %parallel_loop3A_279 : vector<1x1x16xf32> to vector<16xf32>
        %parallel_loop3A_281 = vector.shape_cast %parallel_loop3A_274 : vector<16xf32> to vector<1x1x16xf32>
        tpu.vector_store %arg12[%parallel_loop3A_276, %parallel_loop3A_277, %parallel_loop3A_278], %parallel_loop3A_281 {strides = array<i32>} : memref<2x100x100xf32, #tpu.memory_space<vmem>>, vector<1x1x16xf32>,
        %parallel_loop3A_282 = arith.constant 1 : i32
        %parallel_loop3A_283 = arith.index_cast %parallel_loop3A_282 : i32 to index
        %parallel_loop3A_284 = arith.index_cast %parallel_loop3A_181 : i32 to index
        %parallel_loop3A_285 = arith.constant 80 : index
        %parallel_loop3A_286 = tpu.vector_load %arg11[%parallel_loop3A_283, %parallel_loop3A_284, %parallel_loop3A_285] {strides = array<i32>} : memref<2x104x104xf32, #tpu.memory_space<vmem>>, vector<1x1x16xf32>,
        %parallel_loop3A_287 = vector.shape_cast %parallel_loop3A_286 : vector<1x1x16xf32> to vector<16xf32>
        %parallel_loop3A_288 = arith.constant 100 : i32
        %parallel_loop3A_289 = arith.addi %parallel_loop3A_288, %parallel_loop3A_181 : i32
        %parallel_loop3A_290 = arith.index_cast %parallel_loop3A_289 : i32 to index
        %parallel_loop3A_291 = arith.constant 80 : index
        %parallel_loop3A_292 = tpu.vector_load %arg9[%parallel_loop3A_290, %parallel_loop3A_291] {strides = array<i32>} : memref<200x96xf32, #tpu.memory_space<vmem>>, vector<1x16xf32>,
        %parallel_loop3A_293 = vector.shape_cast %parallel_loop3A_292 : vector<1x16xf32> to vector<16xf32>
        %parallel_loop3A_294 = arith.addf %parallel_loop3A_287, %parallel_loop3A_293 : vector<16xf32>
        %parallel_loop3A_295 = arith.constant 1 : i32
        %parallel_loop3A_296 = arith.index_cast %parallel_loop3A_295 : i32 to index
        %parallel_loop3A_297 = arith.index_cast %parallel_loop3A_181 : i32 to index
        %parallel_loop3A_298 = arith.constant 80 : index
        %parallel_loop3A_299 = tpu.vector_load %arg12[%parallel_loop3A_296, %parallel_loop3A_297, %parallel_loop3A_298] {strides = array<i32>} : memref<2x100x100xf32, #tpu.memory_space<vmem>>, vector<1x1x16xf32>,
        %parallel_loop3A_300 = vector.shape_cast %parallel_loop3A_299 : vector<1x1x16xf32> to vector<16xf32>
        %parallel_loop3A_301 = vector.shape_cast %parallel_loop3A_294 : vector<16xf32> to vector<1x1x16xf32>
        tpu.vector_store %arg12[%parallel_loop3A_296, %parallel_loop3A_297, %parallel_loop3A_298], %parallel_loop3A_301 {strides = array<i32>} : memref<2x100x100xf32, #tpu.memory_space<vmem>>, vector<1x1x16xf32>,
        %parallel_loop3A_302 = arith.constant 1 : i32
        %parallel_loop3A_303 = arith.index_cast %parallel_loop3A_302 : i32 to index
        %parallel_loop3A_304 = arith.index_cast %parallel_loop3A_181 : i32 to index
        %parallel_loop3A_305 = arith.constant 84 : index
        %parallel_loop3A_306 = tpu.vector_load %arg11[%parallel_loop3A_303, %parallel_loop3A_304, %parallel_loop3A_305] {strides = array<i32>} : memref<2x104x104xf32, #tpu.memory_space<vmem>>, vector<1x1x16xf32>,
        %parallel_loop3A_307 = vector.shape_cast %parallel_loop3A_306 : vector<1x1x16xf32> to vector<16xf32>
        %parallel_loop3A_308 = arith.constant 100 : i32
        %parallel_loop3A_309 = arith.addi %parallel_loop3A_308, %parallel_loop3A_181 : i32
        %parallel_loop3A_310 = arith.index_cast %parallel_loop3A_309 : i32 to index
        %parallel_loop3A_311 = arith.constant 0 : index
        %parallel_loop3A_312 = tpu.vector_load %arg10[%parallel_loop3A_310, %parallel_loop3A_311] {strides = array<i32>} : memref<200x16xf32, #tpu.memory_space<vmem>>, vector<1x16xf32>,
        %parallel_loop3A_313 = vector.shape_cast %parallel_loop3A_312 : vector<1x16xf32> to vector<16xf32>
        %parallel_loop3A_314 = arith.addf %parallel_loop3A_307, %parallel_loop3A_313 : vector<16xf32>
        %parallel_loop3A_315 = arith.constant 1 : i32
        %parallel_loop3A_316 = arith.index_cast %parallel_loop3A_315 : i32 to index
        %parallel_loop3A_317 = arith.index_cast %parallel_loop3A_181 : i32 to index
        %parallel_loop3A_318 = arith.constant 84 : index
        %parallel_loop3A_319 = tpu.vector_load %arg12[%parallel_loop3A_316, %parallel_loop3A_317, %parallel_loop3A_318] {strides = array<i32>} : memref<2x100x100xf32, #tpu.memory_space<vmem>>, vector<1x1x16xf32>,
        %parallel_loop3A_320 = vector.shape_cast %parallel_loop3A_319 : vector<1x1x16xf32> to vector<16xf32>
        %parallel_loop3A_321 = vector.shape_cast %parallel_loop3A_314 : vector<16xf32> to vector<1x1x16xf32>
        tpu.vector_store %arg12[%parallel_loop3A_316, %parallel_loop3A_317, %parallel_loop3A_318], %parallel_loop3A_321 {strides = array<i32>} : memref<2x100x100xf32, #tpu.memory_space<vmem>>, vector<1x1x16xf32>,
      } {sc.loop_unroll_factor = 4 : i64, sc.parallel_access}
      %add3A_163 = arith.addi %mul3A_7, %scan3A_73 : i32
      %dma_start3A_164 = arith.constant 1 : i32
      %dma_start3A_165 = arith.constant 0 : i32
      %dma_start3A_166 = arith.constant 0 : i32
      %dma_start3A_167 = tpu.memref_slice %arg12[%dma_start3A_164, %dma_start3A_165, %dma_start3A_166] : memref<2x100x100xf32, #tpu.memory_space<vmem>> -> memref<1x100x100xf32, #tpu.memory_space<vmem>>
      %dma_start3A_168 = tpu.memref_squeeze %dma_start3A_167 : memref<1x100x100xf32, #tpu.memory_space<vmem>> -> memref<100x100xf32, #tpu.memory_space<vmem>>
      %dma_start3A_169 = arith.constant 100 : i32
      %dma_start3A_170 = arith.constant 0 : i32
      %dma_start3A_171 = tpu.memref_slice %arg6[%add3A_163, %dma_start3A_169, %dma_start3A_170] : memref<4096x200x100xf32, #tpu.memory_space<hbm>> -> memref<1x100x100xf32, #tpu.memory_space<hbm>>
      %dma_start3A_172 = tpu.memref_squeeze %dma_start3A_171 : memref<1x100x100xf32, #tpu.memory_space<hbm>> -> memref<100x100xf32, #tpu.memory_space<hbm>>
      %dma_start3A_173 = arith.constant 100 : i32
      %dma_start3A_174 = arith.constant 0 : i32
      %dma_start3A_175 = tpu.memref_slice %arg6[%add3A_163, %dma_start3A_173, %dma_start3A_174] : memref<4096x200x100xf32, #tpu.memory_space<hbm>> -> memref<1x100x100xf32, #tpu.memory_space<hbm>>
      %dma_start3A_176 = tpu.memref_squeeze %dma_start3A_175 : memref<1x100x100xf32, #tpu.memory_space<hbm>> -> memref<100x100xf32, #tpu.memory_space<hbm>>
      %dma_start3A_177 = arith.constant 0 : i32
      %dma_start3A_178 = arith.constant 0 : i32
      %dma_start3A_179 = tpu.memref_slice %arg12[%dma_start3A_164, %dma_start3A_177, %dma_start3A_178] : memref<2x100x100xf32, #tpu.memory_space<vmem>> -> memref<1x100x100xf32, #tpu.memory_space<vmem>>
      %dma_start3A_180 = tpu.memref_squeeze %dma_start3A_179 : memref<1x100x100xf32, #tpu.memory_space<vmem>> -> memref<100x100xf32, #tpu.memory_space<vmem>>
      tpu.enqueue_dma source(%dma_start3A_180 : memref<100x100xf32, #tpu.memory_space<vmem>>) target(%dma_start3A_176 : memref<100x100xf32, #tpu.memory_space<hbm>>) target_semaphore(%arg16 : memref<!tpu.dma_semaphore, #tpu.memory_space<semaphore_mem>>)
    }
    %scan3A_37 = arith.constant 128 : i32
    %dma_wait3A = arith.constant 0 : i32
    %dma_wait3A_38 = arith.constant 0 : i32
    %dma_wait3A_39 = arith.constant 0 : i32
    %dma_wait3A_40 = arith.constant 0 : i32
    %dma_wait3A_41 = tpu.memref_slice %arg12[%dma_wait3A, %dma_wait3A_39, %dma_wait3A_40] : memref<2x100x100xf32, #tpu.memory_space<vmem>> -> memref<1x100x100xf32, #tpu.memory_space<vmem>>
    %dma_wait3A_42 = tpu.memref_squeeze %dma_wait3A_41 : memref<1x100x100xf32, #tpu.memory_space<vmem>> -> memref<100x100xf32, #tpu.memory_space<vmem>>
    %dma_wait3A_43 = arith.constant 0 : i32
    %dma_wait3A_44 = arith.constant 0 : i32
    %dma_wait3A_45 = tpu.memref_slice %arg6[%dma_wait3A_38, %dma_wait3A_43, %dma_wait3A_44] : memref<4096x200x100xf32, #tpu.memory_space<hbm>> -> memref<1x100x100xf32, #tpu.memory_space<hbm>>
    %dma_wait3A_46 = tpu.memref_squeeze %dma_wait3A_45 : memref<1x100x100xf32, #tpu.memory_space<hbm>> -> memref<100x100xf32, #tpu.memory_space<hbm>>
    %dma_wait3A_47 = arith.constant 0 : i32
    %dma_wait3A_48 = arith.constant 0 : i32
    %dma_wait3A_49 = tpu.memref_slice %arg6[%dma_wait3A_38, %dma_wait3A_47, %dma_wait3A_48] : memref<4096x200x100xf32, #tpu.memory_space<hbm>> -> memref<1x100x100xf32, #tpu.memory_space<hbm>>
    %dma_wait3A_50 = tpu.memref_squeeze %dma_wait3A_49 : memref<1x100x100xf32, #tpu.memory_space<hbm>> -> memref<100x100xf32, #tpu.memory_space<hbm>>
    %dma_wait3A_51 = arith.constant 0 : i32
    %dma_wait3A_52 = arith.constant 0 : i32
    %dma_wait3A_53 = tpu.memref_slice %arg12[%dma_wait3A, %dma_wait3A_51, %dma_wait3A_52] : memref<2x100x100xf32, #tpu.memory_space<vmem>> -> memref<1x100x100xf32, #tpu.memory_space<vmem>>
    %dma_wait3A_54 = tpu.memref_squeeze %dma_wait3A_53 : memref<1x100x100xf32, #tpu.memory_space<vmem>> -> memref<100x100xf32, #tpu.memory_space<vmem>>
    tpu.wait_dma2 semaphore(%arg15 : memref<!tpu.dma_semaphore, #tpu.memory_space<semaphore_mem>>) src(%dma_wait3A_54 : memref<100x100xf32, #tpu.memory_space<vmem>>) dst(%dma_wait3A_50 : memref<100x100xf32, #tpu.memory_space<hbm>>)
    %dma_wait3A_55 = arith.constant 1 : i32
    %dma_wait3A_56 = arith.constant 0 : i32
    %dma_wait3A_57 = arith.constant 0 : i32
    %dma_wait3A_58 = arith.constant 0 : i32
    %dma_wait3A_59 = tpu.memref_slice %arg12[%dma_wait3A_55, %dma_wait3A_57, %dma_wait3A_58] : memref<2x100x100xf32, #tpu.memory_space<vmem>> -> memref<1x100x100xf32, #tpu.memory_space<vmem>>
    %dma_wait3A_60 = tpu.memref_squeeze %dma_wait3A_59 : memref<1x100x100xf32, #tpu.memory_space<vmem>> -> memref<100x100xf32, #tpu.memory_space<vmem>>
    %dma_wait3A_61 = arith.constant 0 : i32
    %dma_wait3A_62 = arith.constant 0 : i32
    %dma_wait3A_63 = tpu.memref_slice %arg6[%dma_wait3A_56, %dma_wait3A_61, %dma_wait3A_62] : memref<4096x200x100xf32, #tpu.memory_space<hbm>> -> memref<1x100x100xf32, #tpu.memory_space<hbm>>
    %dma_wait3A_64 = tpu.memref_squeeze %dma_wait3A_63 : memref<1x100x100xf32, #tpu.memory_space<hbm>> -> memref<100x100xf32, #tpu.memory_space<hbm>>
    %dma_wait3A_65 = arith.constant 0 : i32
    %dma_wait3A_66 = arith.constant 0 : i32
    %dma_wait3A_67 = tpu.memref_slice %arg6[%dma_wait3A_56, %dma_wait3A_65, %dma_wait3A_66] : memref<4096x200x100xf32, #tpu.memory_space<hbm>> -> memref<1x100x100xf32, #tpu.memory_space<hbm>>
    %dma_wait3A_68 = tpu.memref_squeeze %dma_wait3A_67 : memref<1x100x100xf32, #tpu.memory_space<hbm>> -> memref<100x100xf32, #tpu.memory_space<hbm>>
    %dma_wait3A_69 = arith.constant 0 : i32
    %dma_wait3A_70 = arith.constant 0 : i32
    %dma_wait3A_71 = tpu.memref_slice %arg12[%dma_wait3A_55, %dma_wait3A_69, %dma_wait3A_70] : memref<2x100x100xf32, #tpu.memory_space<vmem>> -> memref<1x100x100xf32, #tpu.memory_space<vmem>>
    %dma_wait3A_72 = tpu.memref_squeeze %dma_wait3A_71 : memref<1x100x100xf32, #tpu.memory_space<vmem>> -> memref<100x100xf32, #tpu.memory_space<vmem>>
    tpu.wait_dma2 semaphore(%arg16 : memref<!tpu.dma_semaphore, #tpu.memory_space<semaphore_mem>>) src(%dma_wait3A_72 : memref<100x100xf32, #tpu.memory_space<vmem>>) dst(%dma_wait3A_68 : memref<100x100xf32, #tpu.memory_space<hbm>>)
    return
  }
}

</mosaic_0001>

<sc_bundles>
// kernel: kernel.3.cloned.1.call-start
scs
__scs_entry_jumppad:
0x0: {  	(pc) =	sbr.rel $0x88, $3  }
0x1: {  	(tag) =	ssettag $0x0;
	lr =	simm.s32 $0x1  }
0x2: {  	[smem:$0x3F9E] =	sst lr;
	_ =	strace $0xD0000000  }
0x3: {  	_ = 	snop  }
0x4: {  	_ = 	snop  }
0x5: {  	_ = 	snop  }
0x6: {  	_ = 	snop  }
0x7: {  	_ = 	snop  }
__scs_overlays_trampoline_lowered:
0x8: {  	[smem:$0x3FAD] =	sst s0  }
0x9: {  	[smem:$0x3FAE] =	sst s1  }
0xa: {  	[smem:$0x3FAF] =	sst s2  }
0xb: {  	[smem:$0x3FB0] =	sst s3  }
0xc: {  	[smem:$0x3FB1] =	sst s4  }
0xd: {  	[smem:$0x3FB2] =	sst s5  }
0xe: {  	[smem:$0x3FB3] =	sst s6  }
0xf: {  	[smem:$0x3FB4] =	sst s7  }
0x10: {  	[smem:$0x3FB5] =	sst s8  }
0x11: {  	[smem:$0x3FB6] =	sst s9;
	s0 =	simm.s32 @!p0 $0x0  }
0x12: {  	s1 =	sld [smem:$0x3F9C];
	s0 =	simm.s32 @p0 $0x1  }
0x13: {  	[smem:$0x3FB7] =	sst s0;
	s0 =	simm.s32 @!p1 $0x0  }
0x14: {  	s2 =	sld [smem:$0x3F9B];
	s0 =	simm.s32 @p1 $0x1  }
0x15: {  	[smem:$0x3FB8] =	sst s0;
	s0 =	simm.s32 @!p2 $0x0  }
0x16: {  	s3 =	sld [smem:$0x3FDB];
	s0 =	simm.s32 @p2 $0x1  }
0x17: {  	s4 =	simm.s32 $0x1BF5;
	[smem:$0x3FBA] =	sst s0  }
0x18: {  	s0 =	sld [smem:$0x3F9D];
	_ =	swait.ge [sflag:s4], $0x0  }
0x19: {  	s7 =	sld [smem:$0x3F9E]  }
0x1a: {  	s8 =	sadd.s32 $0xFFFFE003, lr  }
0x1b: {  	s9 =	sadd.s32 $0xFFFFFEF7, lr;
	s5 =	simm.s32 $0xFFFFFFFF;
	p2 =	slt.u32 s8, $0xFFFFF086  }
0x1c: {  	p1 =	slt.u32 s9, $0xF7A;
	s5 =	simm.s32 @!p2 $0x0  }
0x1d: {  	s5 =	simm.s32 @p1 $0x1;
	p0 =	seq.s32 s7, s2  }
0x1e: {  	s7 =	smul.u32 @!p0 $0xF7A, s2;
	p2 =	seq.s32 @!p0 s5, $0x0  }
0x1f: {  	s9 =	smul.u32 $0xF7A, s1;
	s8 =	simm.s32 @!p0 $0x1BF5;
	p2 =	por !p2, p0  }
0x20: {  	[sflag:s8] =	ssyncset.s32 @!p0 $0xFFFFF086;
	s6 =	sadd.s32 @!p0 s3, s7;
	s7 =	simm.s32 @!p0 $0x108  }
0x21: {  	s3 =	sadd.s32 s3, s9;
	s6 =	sadd.s32 @!p0 $0x88, s6;
	s7 =	simm.s32 @p2 $0x1082  }
0x22: {  	[simem:s7], [sflag:s8] =	dma.local @!p0 [hbm:s6], $0xF7A  }
0x23: {  	s9 =	sor.u32 $0xD0000000, s2;
	s6 =	simm.s32 $0x108;
	_ =	swait.ge @!p0 [sflag:s8], $0x0  }
0x24: {  	s3 =	sadd.s32 $0x88, s3;
	s6 =	simm.s32 @!p1 $0x1082;
	[sflag:s4] =	ssyncset.s32 $0xFFFFF086  }
0x25: {  	[simem:s6], [sflag:s4] =	dma.local [hbm:s3], $0xF7A  }
0x26: {  	[smem:$0x3F9E] =	sst s1;
	(tag) =	ssettag s2;
	_ =	strace s9  }
0x27: {  	s1 =	sld [smem:$0x3FAE]  }
0x28: {  	s2 =	sld [smem:$0x3FAF]  }
0x29: {  	s4 =	sld [smem:$0x3FB1]  }
0x2a: {  	p0 =	seq.s32 s5, $0x0;
	s5 =	sld [smem:$0x3FB2]  }
0x2b: {  	s6 =	sld [smem:$0x3FB3]  }
0x2c: {  	s7 =	sld [smem:$0x3FB4]  }
0x2d: {  	s3 =	simm.s32 $0x108;
	s8 =	sld [smem:$0x3FB5]  }
0x2e: {  	s3 =	simm.s32 @!p0 $0x1082;
	s9 =	sld [smem:$0x3FB6]  }
0x2f: {  	lr =	sadd.s32 s0, s3;
	s0 =	sld [smem:$0x3FAD]  }
0x30: {  	s3 =	sld [smem:$0x3FB0]  }
0x31: {  	[smem:$0x3FB9] =	sst s10  }
0x32: {  	s10 =	sld [smem:$0x3FB7];
	_ =	sdelay $0x3  }
0x33: {  	p0 =	seq.s32 s10, $0x1;
	s10 =	sld [smem:$0x3FB9];
	_ =	sdelay $0x3  }
0x34: {  	[smem:$0x3FB9] =	sst s10  }
0x35: {  	s10 =	sld [smem:$0x3FB8];
	_ =	sdelay $0x3  }
0x36: {  	p1 =	seq.s32 s10, $0x1;
	s10 =	sld [smem:$0x3FB9];
	_ =	sdelay $0x3  }
0x37: {  	[smem:$0x3FB9] =	sst s10  }
0x38: {  	s10 =	sld [smem:$0x3FBA]  }
0x39: {  	_ = 	snop;
	(pc) =	sbr.ind lr, $3  }
0x3a: {  	_ = 	snop  }
0x3b: {  	_ = 	snop  }
0x3c: {  	p2 =	seq.s32 s10, $0x1;
	s10 =	sld [smem:$0x3FB9]  }
0x3d: {  	_ =	shalt  }
0x3e: {  	_ =	shalt  }
0x3f: {  	_ =	shalt  }
0x40: {  	_ =	shalt  }
0x41: {  	_ =	shalt  }
0x42: {  	_ =	shalt  }
0x43: {  	_ =	shalt  }
0x44: {  	_ =	shalt  }
0x45: {  	_ =	shalt  }
0x46: {  	_ =	shalt  }
0x47: {  	_ =	shalt  }
0x48: {  	_ =	shalt  }
0x49: {  	_ =	shalt  }
0x4a: {  	_ =	shalt  }
0x4b: {  	_ =	shalt  }
0x4c: {  	_ =	shalt  }
0x4d: {  	_ =	shalt  }
0x4e: {  	_ =	shalt  }
0x4f: {  	_ =	shalt  }
0x50: {  	_ =	shalt  }
0x51: {  	_ =	shalt  }
0x52: {  	_ =	shalt  }
0x53: {  	_ =	shalt  }
0x54: {  	_ =	shalt  }
0x55: {  	_ =	shalt  }
0x56: {  	_ =	shalt  }
0x57: {  	_ =	shalt  }
0x58: {  	_ =	shalt  }
0x59: {  	_ =	shalt  }
0x5a: {  	_ =	shalt  }
0x5b: {  	_ =	shalt  }
0x5c: {  	_ =	shalt  }
0x5d: {  	_ =	shalt  }
0x5e: {  	_ =	shalt  }
0x5f: {  	_ =	shalt  }
0x60: {  	_ =	shalt  }
0x61: {  	_ =	shalt  }
0x62: {  	_ =	shalt  }
0x63: {  	_ =	shalt  }
0x64: {  	_ =	shalt  }
0x65: {  	_ =	shalt  }
0x66: {  	_ =	shalt  }
0x67: {  	_ =	shalt  }
0x68: {  	_ =	shalt  }
0x69: {  	_ =	shalt  }
0x6a: {  	_ =	shalt  }
0x6b: {  	_ =	shalt  }
0x6c: {  	_ =	shalt  }
0x6d: {  	_ =	shalt  }
0x6e: {  	_ =	shalt  }
0x6f: {  	_ =	shalt  }
0x70: {  	_ =	shalt  }
0x71: {  	_ =	shalt  }
0x72: {  	_ =	shalt  }
0x73: {  	_ =	shalt  }
0x74: {  	_ =	shalt  }
0x75: {  	_ =	shalt  }
0x76: {  	_ =	shalt  }
0x77: {  	_ =	shalt  }
0x78: {  	_ =	shalt  }
0x79: {  	_ =	shalt  }
0x7a: {  	_ =	shalt  }
0x7b: {  	_ =	shalt  }
0x7c: {  	_ =	shalt  }
0x7d: {  	_ =	shalt  }
0x7e: {  	_ =	shalt  }
0x7f: {  	_ =	shalt  }
0x80: {  	_ =	shalt  }
0x81: {  	_ =	shalt  }
0x82: {  	_ =	shalt  }
0x83: {  	_ =	shalt  }
0x84: {  	_ =	shalt  }
0x85: {  	_ =	shalt  }
0x86: {  	_ =	shalt  }
0x87: {  	_ =	shalt  }
.Lfunc_end0:
.L_simem_size_0:
called_computation.1_lowered:
.L_overlay_start_0:
0x88: {  	s2 =	sld [smem:$0x3FD9]  }
0x89: {  	s3 =	sld [smem:$0x3FFE];
	_ =	sdelay $0x1  }
0x8a: {  	s1 =	srdreg.scid  }
0x8b: {  	s0 =	sand.u32 $0x1, s1  }
0x8c: {  	s17 =	sshll.u32 s0, $0xA;
	s2 =	sadd.s32 s3, s2  }
0x8d: {  	s2 =	sadd.s32 s2, s17  }
0x8e: {  	[smem:$0x3FC5] =	sst s2  }
0x8f: {  	_ = 	snop  }
0x90: {  	s2 =	sld [smem:$0x3FD0];
	(tm) =	ssettm $0x1  }
0x91: {  	s18 =	sld [smem:$0x3FFB];
	_ =	sdelay $0x3  }
0x92: {  	_ =	strace s18  }
0x93: {  	s3 =	sld [smem:$0x3FFC];
	_ =	sdelay $0x3  }
0x94: {  	_ =	strace s3  }
0x95: {  	s3 =	sld [smem:$0x3FFD];
	_ =	sdelay $0x3  }
0x96: {  	_ =	strace s3  }
0x97: {  	_ =	strace $0x8FFFFFFF  }
0x98: {  	s19 =	sld [smem:$0x3FDB];
	_ =	sdelay $0x1  }
0x99: {  	s4 =	simm.s32 $_scs_section_size  }
0x9a: {  	s5 =	simm.s32 $_size__tile_overlayer_lowered;
	s6 =	simm.s32 $_tile_overlayer_lowered  }
0x9b: {  	s22 =	simm.s32 $0x1BFF;
	s21 =	sshll.u32 s6, $0x1;
	s3 =	sadd.s32 s4, s19  }
0x9c: {  	s7 =	simm.s32 $0x0;
	s20 =	sshll.u32 s5, $0x1;
	s5 =	sadd.s32 s21, s3  }
0x9d: {  	[timem:s7], [sflag:s22] =	dma.local [hbm:s5], s20  }
0x9e: {  	_ =	swait.ge [sflag:s22], s20  }
0x9f: {  	s4 =	ssub.s32 $0x0, s20;
	[sflag:s22] =	ssyncset.done $0x0  }
0xa0: {  	[sflag:s22] =	ssyncadd.s32 s4;
	_ =	sdelay $0x1  }
0xa1: {  	s23 =	simm.s32 $0x1B8B  }
0xa2: {  	_ =	swait.ge [sflag:s23], $0x1  }
0xa3: {  	[sflag:s23] =	ssyncset.done $0x0  }
0xa4: {  	s25 =	simm.s32 $0x1B8E;
	s24 =	sld [smem:$0x3FFE];
	[sflag:s23] =	ssyncadd.s32 $0xFFFFFFFF  }
0xa5: {  	s26 =	simm.s32 $execute0_lowered;
	[smem:$0x3FD2] =	sst s25  }
0xa6: {  	s5 =	sshll.u32 s26, $0x1;
	_ =	strace $0x80000046;
	[dreg:$0x1] =	wrdreg $0xFFFFFFFF  }
0xa7: {  	s28 =	simm.s32 $_size_execute0_lowered;
	s3 =	sadd.s32 s3, s5;
	[dreg:$0x0] =	wrdreg $0x0  }
0xa8: {  	s5 =	sshll.u32 s28, $0x1;
	[dreg:$0x2] =	wrdreg s3  }
0xa9: {  	[dreg:$0x3] =	wrdreg s5  }
0xaa: {  	[dreg:$0x4] =	wrdreg $0xC0  }
0xab: {  	_ =	task [dreg:s7], $0x5FFFF  }
0xac: {  	[dreg:$0x1] =	wrdreg $0xFFFFFFFF  }
0xad: {  	[dreg:$0x0] =	wrdreg $0x60  }
0xae: {  	[dreg:$0x2] =	wrdreg s2  }
0xaf: {  	[dreg:$0x3] =	wrdreg s24  }
0xb0: {  	[dreg:$0x4] =	wrdreg $0x0  }
0xb1: {  	[dreg:$0x5] =	wrdreg $0x9  }
0xb2: {  	_ =	task.clear_ibuf [dreg:s7], $0x6FFFF;
	_ =	strace $0x90000046  }
0xb3: {  	s29 =	simm.s32 $0x9;
	_ =	strace $0x80000048  }
0xb4: {  	_ =	swait.ge [sflag:s29], $0x1  }
0xb5: {  	[sflag:s29] =	ssyncadd.s32 $0xFFFFFFFF  }
0xb6: {  	_ =	strace $0x90000048  }
0xb7: {  	_ =	sfence  }
0xb8: {  	s30 =	sld [smem:$0x0];
	_ =	sdelay $0x2  }
0xb9: {  	s31 =	sshll.u32 s1, $0xD;
	s1 =	sshrl.u32 s1, $0x2  }
0xba: {  	s3 =	sand.u32 $0x4000, s31;
	s1 =	sadd.s32 s1, s30  }
0xbb: {  	s0 =	sor.u32 s3, s0;
	s1 =	sshll.u32 s1, $0x11  }
0xbc: {  	s0 =	sor.u32 s1, s0  }
0xbd: {  	s0 =	sadd.s32 $0x8F2B, s0  }
0xbe: {  	[sflag:s0] =	ssyncadd.remote.s32 $0x1  }
0xbf: {  	_ =	sfence.sel $0xFFFF  }
0xc0: {  	[dreg:$0x0] =	wrdreg $0xFFFFFFFF;
	(pc) =	sbr.abs _section_cstart, $3  }
0xc1: {  	[dreg:$0x1] =	wrdreg $0xFFFFFFFF  }
0xc2: {  	_ =	task.clear_ibuf [dreg:s7], $0x2FFFF;
	_ =	strace $0x9FFFFFFF  }
0xc3: {  	(tm) =	ssettm $0x7FFFFFFF  }
tec
execute0_lowered:
.L_overlay_start_1:
0x0: {  	(tag) =	ssettag $0x1  }
0x1: {  	s0 =	rddreg [dreg:$0x0]  }
0x2: {  	s3 =	rddreg [dreg:$0x1]  }
0x3: {  	s1 =	rddreg [dreg:$0x2];
	s2 =	simm.s32 $0x0  }
0x4: {  	s5 =	srdreg.scid;
	s10 =	stileid.u32;
	s17 =	simm.s32 $0x7  }
0x5: {  	s28 =	simm.s32 $0x1AAB8;
	s29 =	simm.s32 $0x1D358;
	s30 =	simm.s32 $0x3  }
0x6: {  	s31 =	simm.s32 $0x4;
	[smem:$0x7FF] =	sst s2;
	s4 =	sadd.s32 $0x1E00, s3  }
0x7: {  	s5 =	sand.u32 $0x1, s5;
	s6 =	sadd.s32 $0x1200, s3;
	s8 =	smul.u32 $0xFDE8, s10  }
0x8: {  	s7 =	sadd.s32 $0x1C00, s3;
	s23 =	sshll.u32 s10, $0x6;
	_ =	strace $0x80000047  }
0x9: {  	[dreg:$0x4] =	wrdreg s6;
	s20 =	sshll.u32 s5, $0x4;
	s5 =	ssub.s32 $0x2, s5  }
0xa: {  	[dreg:$0x5] =	wrdreg s7;
	s7 =	sadd.s32 $0x1BE00, s3;
	s25 =	sor.u32 $0x1C07, s23  }
0xb: {  	s23 =	simm.s32 $0xFE50;
	s6 =	sor.u32 s10, s20;
	s9 =	sshrl.u32 s5, $0x1  }
0xc: {  	s22 =	sadd.s32 s8, s1;
	s8 =	sshrl.u32 s8, $0x3;
	[dreg:$0x7] =	wrdreg s25  }
0xd: {  	s25 =	simm.s32 $0x18078;
	s12 =	smul.u32 $0x6800, s6;
	s21 =	ssub.s32 s5, s9  }
0xe: {  	s0 =	sadd.s32 s0, s8;
	s11 =	sshll.u32 s6, $0x7;
	s16 =	sshrl.u32 s22, $0x3  }
0xf: {  	[dreg:$0x6] =	wrdreg s0;
	s15 =	smax.u32 s21, $0x1;
	s24 =	sshrl.u32 s12, $0x3  }
0x10: {  	s21 =	simm.s32 $0x68;
	s0 =	simm.s32 $0x0;
	s10 =	sadd.s32 s4, s24  }
0x11: {  	s13 =	sor.u32 $0xD0, s12;
	s14 =	sor.u32 $0x138, s12;
	s26 =	sadd.s32 $0xD, s10  }
0x12: {  	s24 =	simm.s32 $0x6;
	[dreg:$0x8] =	wrdreg s26;
	s26 =	simm.s32 $0x1  }
.LBB2_1:
0x13: {  	s3 =	rddreg [dreg:$0x6]  }
0x14: {  	s5 =	rddreg [dreg:$0x7]  }
0x15: {  	[spmem:s16], [sflag:s5] =	dma.local [hbm:s3], $0x1FBD  }
0x16: {  	_ =	swait.ge [sflag:s17], $0x1FBD  }
0x17: {  	[sflag:s17] =	ssyncset.done $0x0  }
0x18: {  	s9 =	simm.s32 $0xFEB8;
	s8 =	rddreg [dreg:$0x4];
	[sflag:s17] =	ssyncadd.s32 $0xFFFFE043  }
0x19: {  	[tilespmem:s9], [sflag:$0x7] =	stream.linear.gather [hbm4b:s8+s2], $0x4B00, $0x38;
	[tilespmem:$0x1FBF8] =	vst v63  }
0x1a: {  	_ =	swait.ge [sflag:s17], $0x4B00  }
0x1b: {  	[sflag:s17] =	ssyncset.done $0x0  }
0x1c: {  	s18 =	simm.s32 $0x149B8;
	s12 =	rddreg [dreg:$0x5];
	[sflag:s17] =	ssyncadd.s32 $0xFFFFB500  }
0x1d: {  	[tilespmem:s18], [sflag:$0x7] =	stream.linear.gather [hbm4b:s12+s2], $0xC80, $0x38;
	[tilespmem:$0x1FBF8] =	vst v63  }
0x1e: {  	_ =	swait.ge [sflag:s17], $0xC80  }
0x1f: {  	[sflag:s17] =	ssyncset.done $0x0  }
0x20: {  	s19 =	simm.s32 $0xFDE8;
	[sflag:s17] =	ssyncadd.s32 $0xFFFFF380  }
0x21: {  	[tilespmem:s19], [sflag:$0x7] =	stream.linear.gather [hbm4b:s10+s2], $0x68, $0x38;
	[tilespmem:$0x1FBF8] =	vst v63  }
0x22: {  	_ =	swait.ge [sflag:s17], $0x68  }
0x23: {  	[sflag:s17] =	ssyncset.done $0x0  }
0x24: {  	[sflag:s17] =	ssyncadd.s32 $0xFFFFFF98  }
0x25: {  	s20 =	simm.s32 $0x15638;
	[bflag:$0x0] =	sbarrier.arrive $0xFFFF  }
0x26: {  	[tilespmem:s20], [sflag:$0x1] =	stream.indirect.gather [spmem:s1], $0x68, s19, s21, $0xb8;
	[tilespmem:$0x1FBF8] =	vst v63  }
0x27: {  	s3 =	simm.s32 $0x0;
	s22 =	rddreg [dreg:$0x8]  }
0x28: {  	[tilespmem:s23], [sflag:$0x6] =	stream.linear.gather [hbm4b:s22+s2], $0x68, $0x38;
	[tilespmem:$0x1FBF8] =	vst v63  }
.LBB2_2:
0x29: {  	_ =	swait.ge [sflag:s24], $0x68;
	p0 =	seq.s32 s3, $0x7F  }
0x2a: {  	[sflag:s24] =	ssyncset.done $0x0;
	p1 =	seq.s32 @!p0 s3, $0x0  }
0x2b: {  	s5 =	smul.u32 @!p0 $0xD0, s3;
	[sflag:s24] =	ssyncadd.s32 $0xFFFFFF98;
	p1 =	por p0, !p1  }
0x2c: {  	[tilespmem:s25], [sflag:$0x2] =	stream.indirect.gather [spmem:s1], $0x68, s23, s21, $0xb8;
	[tilespmem:$0x1FBF8] =	vst v63  }
.Ltmp0:
0x2d: {  	_ = 	snop;
	(pc) =	sbr.rel @!p1 .LBB2_3-.Ltmp0, $4  }
0x2e: {  	s5 =	sadd.s32 @!p0 s5, s13;
	_ =	swait.ge [sflag:s26], $0x2A40  }
0x2f: {  	s6 =	simm.s32 @!p0 $0x0;
	s5 =	sshrl.u32 @!p0 s5, $0x3;
	[sflag:s26] =	ssyncset.done $0x0  }
0x30: {  	s8 =	simm.s32 @!p0 $0xFDE8;
	s5 =	sadd.s32 @!p0 s4, s5;
	[sflag:s26] =	ssyncadd.s32 $0xFFFFD5C0  }
0x31: {  	[tilespmem:s8], [sflag:$0x5] =	stream.linear.gather @!p0 [hbm4b:s5+s6], $0x68, $0x38;
	[tilespmem:$0x1FBF8] =	vst v63  }
.Ltmp1:
0x32: {  	(pc) =	sbr.rel .LBB2_5-.Ltmp1, $4  }
0x33: {  	_ = 	snop  }
0x34: {  	_ =	swait.ge [sflag:s30], $0x28A0  }
0x35: {  	[sflag:s30] =	ssyncset.done $0x0  }
0x36: {  	p0 =	por $0x0, $0x0;
	[sflag:s30] =	ssyncadd.s32 $0xFFFFD760  }
.LBB2_3:
0x37: {  	p0 =	por @!p0 $0x1, $0x1  }
.LBB2_5:
0x38: {  	s6 =	simm.s32 $0x15708  }
0x39: {  	s9 =	simm.s32 $0xFF78;
	v0 =	vld [tilespmem:s6+$0x68]  }
0x3a: {  	v1 =	vld [tilespmem:s9+$0x60]  }
0x3b: {  	v2 =	vld [tilespmem:s6+$0xFFFFFF98]  }
0x3c: {  	v3 =	vld [tilespmem:s9+$0xFFFFFFA0]  }
0x3d: {  	v4 =	vld [tilespmem:s6+$0xFFFFFF30]  }
0x3e: {  	s22 =	simm.s32 $0x158A8;
	v6 =	vld [tilespmem:s9+$0x0]  }
0x3f: {  	v8 =	vld [tilespmem:s22+$0x68];
	v0 =	vadd.f32 v1, v0  }
0x40: {  	s18 =	simm.s32 $0x1AB88;
	s5 =	simm.s32 $0x100F8;
	v1 =	vld [tilespmem:s9+$0xFFFFFF40]  }
0x41: {  	v9 =	vld [tilespmem:s5+$0x60];
	[tilespmem:s18+$0x68] =	vst v0  }
0x42: {  	v0 =	vld [tilespmem:s6+$0x78]  }
0x43: {  	v2 =	vadd.f32 v3, v2;
	v5 =	vld [tilespmem:s9+$0x70]  }
0x44: {  	v10 =	vld [tilespmem:s5+$0xFFFFFF40]  }
0x45: {  	v3 =	vld [tilespmem:s6+$0x0];
	[tilespmem:s18+$0xFFFFFF98] =	vst v2;
	v1 =	vadd.f32 v1, v4  }
0x46: {  	v2 =	vld [tilespmem:s6+$0xFFFFFFA8]  }
0x47: {  	v4 =	vld [tilespmem:s9+$0xFFFFFFB0];
	[tilespmem:s18+$0xFFFFFF30] =	vst v1  }
0x48: {  	v0 =	vadd.f32 v5, v0;
	v1 =	vld [tilespmem:s6+$0xFFFFFF40]  }
0x49: {  	v5 =	vld [tilespmem:s9+$0xFFFFFF50]  }
0x4a: {  	v11 =	vld [tilespmem:s22+$0xFFFFFF98];
	[tilespmem:s18+$0x78] =	vst v0;
	v0 =	vadd.f32 v6, v3  }
0x4b: {  	v3 =	vld [tilespmem:s6+$0x88]  }
0x4c: {  	v6 =	vld [tilespmem:s9+$0x80];
	[tilespmem:s18+$0x0] =	vst v0;
	v0 =	vadd.f32 v4, v2  }
0x4d: {  	v2 =	vld [tilespmem:s6+$0x10]  }
0x4e: {  	v4 =	vld [tilespmem:s9+$0x10];
	[tilespmem:s18+$0xFFFFFFA8] =	vst v0;
	v0 =	vadd.f32 v5, v1  }
0x4f: {  	v1 =	vld [tilespmem:s6+$0xFFFFFFB8]  }
0x50: {  	v5 =	vld [tilespmem:s9+$0xFFFFFFC0];
	[tilespmem:s18+$0xFFFFFF40] =	vst v0  }
0x51: {  	v0 =	vadd.f32 v6, v3;
	v3 =	vld [tilespmem:s6+$0xFFFFFF50]  }
0x52: {  	v6 =	vld [tilespmem:s9+$0xFFFFFF60]  }
0x53: {  	v12 =	vld [tilespmem:s5+$0xFFFFFFA0];
	[tilespmem:s18+$0x88] =	vst v0;
	v0 =	vadd.f32 v4, v2  }
0x54: {  	v2 =	vld [tilespmem:s6+$0x98]  }
0x55: {  	v4 =	vld [tilespmem:s9+$0x90];
	[tilespmem:s18+$0x10] =	vst v0;
	v0 =	vadd.f32 v5, v1  }
0x56: {  	v1 =	vld [tilespmem:s6+$0x20]  }
0x57: {  	[tilespmem:s18+$0xFFFFFFB8] =	vst v0;
	v0 =	vld [tilespmem:s9+$0x20];
	v3 =	vadd.f32 v6, v3  }
0x58: {  	v5 =	vld [tilespmem:s6+$0xFFFFFFC8]  }
0x59: {  	v8 =	vadd.f32 v9, v8;
	v6 =	vld [tilespmem:s9+$0xFFFFFFD0];
	[tilespmem:s18+$0xFFFFFF50] =	vst v3  }
0x5a: {  	s19 =	simm.s32 $0x1AD28;
	v2 =	vadd.f32 v4, v2;
	v3 =	vld [tilespmem:s6+$0xFFFFFF60]  }
0x5b: {  	[tilespmem:s19+$0x68] =	vst v8;
	v4 =	vld [tilespmem:s9+$0xFFFFFF70]  }
0x5c: {  	v46 =	vld [tilespmem:s22+$0x78];
	[tilespmem:s18+$0x98] =	vst v2;
	v0 =	vadd.f32 v0, v1  }
0x5d: {  	v1 =	vld [tilespmem:s6+$0xA8]  }
0x5e: {  	v2 =	vld [tilespmem:s9+$0xA0];
	v5 =	vadd.f32 v6, v5;
	[tilespmem:s18+$0x20] =	vst v0  }
0x5f: {  	v0 =	vld [tilespmem:s6+$0x30]  }
0x60: {  	[tilespmem:s18+$0xFFFFFFC8] =	vst v5;
	v3 =	vadd.f32 v4, v3;
	v4 =	vld [tilespmem:s9+$0x30]  }
0x61: {  	v5 =	vld [tilespmem:s6+$0xFFFFFFD8]  }
0x62: {  	[tilespmem:s18+$0xFFFFFF60] =	vst v3;
	v3 =	vld [tilespmem:s9+$0xFFFFFFE0]  }
0x63: {  	v47 =	vld [tilespmem:s5+$0x70];
	v1 =	vadd.f32 v2, v1  }
0x64: {  	v2 =	vld [tilespmem:s6+$0xFFFFFF70]  }
0x65: {  	v6 =	vld [tilespmem:s9+$0xFFFFFF80];
	[tilespmem:s18+$0xA8] =	vst v1;
	v0 =	vadd.f32 v4, v0  }
0x66: {  	v1 =	vld [tilespmem:s6+$0xB8]  }
0x67: {  	v4 =	vld [tilespmem:s9+$0xB0];
	v3 =	vadd.f32 v3, v5;
	[tilespmem:s18+$0x30] =	vst v0  }
0x68: {  	v45 =	vadd.f32 v12, v11;
	v0 =	vld [tilespmem:s6+$0x40]  }
0x69: {  	[tilespmem:s18+$0xFFFFFFD8] =	vst v3;
	v3 =	vld [tilespmem:s9+$0x40]  }
0x6a: {  	v13 =	vld [tilespmem:s5+$0x0];
	[tilespmem:s19+$0xFFFFFF98] =	vst v45;
	v11 =	vadd.f32 v47, v46  }
0x6b: {  	v49 =	vld [tilespmem:s22+$0xFFFFFFA8];
	v2 =	vadd.f32 v6, v2  }
0x6c: {  	v50 =	vld [tilespmem:s5+$0xFFFFFFB0];
	[tilespmem:s19+$0x78] =	vst v11  }
0x6d: {  	v11 =	vld [tilespmem:s22+$0x88];
	[tilespmem:s18+$0xFFFFFF70] =	vst v2  }
0x6e: {  	v1 =	vadd.f32 v4, v1;
	v4 =	vld [tilespmem:s6+$0xFFFFFF80];
	v0 =	vadd.f32 v3, v0  }
0x6f: {  	v6 =	vld [tilespmem:s9+$0xFFFFFF90]  }
0x70: {  	[tilespmem:s18+$0x40] =	vst v0;
	v0 =	vld [tilespmem:s22+$0xFFFFFF30]  }
0x71: {  	v3 =	vld [tilespmem:s22+$0x0]  }
0x72: {  	v5 =	vld [tilespmem:s6+$0xFFFFFFE8]  }
0x73: {  	v2 =	vld [tilespmem:s9+$0xFFFFFFF0];
	[tilespmem:s18+$0xB8] =	vst v1  }
0x74: {  	s8 =	simm.s32 $0x149D8;
	v1 =	vld [tilespmem:s6+$0xBC];
	v4 =	vadd.f32 v6, v4  }
0x75: {  	v7 =	vld [tilespmem:s8+$0x10];
	v0 =	vadd.f32 v10, v0  }
0x76: {  	v8 =	vld [tilespmem:s6+$0x50];
	[tilespmem:s18+$0xFFFFFF80] =	vst v4;
	v3 =	vadd.f32 v13, v3  }
0x77: {  	v4 =	vld [tilespmem:s5+$0x80];
	[tilespmem:s19+$0xFFFFFF30] =	vst v0  }
0x78: {  	[tilespmem:s19+$0x0] =	vst v3;
	v3 =	vld [tilespmem:s22+$0xFFFFFF40]  }
0x79: {  	v10 =	vadd.f32 v50, v49;
	v51 =	vld [tilespmem:s5+$0xFFFFFF50]  }
0x7a: {  	v6 =	vld [tilespmem:s5+$0x10]  }
0x7b: {  	v0 =	vld [tilespmem:s22+$0x10];
	[tilespmem:s19+$0xFFFFFFA8] =	vst v10  }
0x7c: {  	v4 =	vadd.f32 v4, v11;
	v53 =	vld [tilespmem:s22+$0xFFFFFFB8]  }
0x7d: {  	v54 =	vld [tilespmem:s5+$0xFFFFFFC0]  }
0x7e: {  	v48 =	vld [tilespmem:s9+$0x50];
	[tilespmem:s19+$0x88] =	vst v4;
	v3 =	vadd.f32 v51, v3  }
0x7f: {  	v56 =	vld [tilespmem:s22+$0x98]  }
0x80: {  	v57 =	vld [tilespmem:s5+$0x90];
	v0 =	vadd.f32 v6, v0;
	[tilespmem:s19+$0xFFFFFF40] =	vst v3  }
0x81: {  	v6 =	vld [tilespmem:s22+$0xFFFFFF50]  }
0x82: {  	v4 =	vadd.f32 v54, v53;
	[tilespmem:s19+$0x10] =	vst v0;
	v0 =	vld [tilespmem:s5+$0xFFFFFF60]  }
0x83: {  	v55 =	vld [tilespmem:s22+$0x20]  }
0x84: {  	v2 =	vadd.f32 v2, v5;
	[tilespmem:s19+$0xFFFFFFB8] =	vst v4;
	v4 =	vld [tilespmem:s5+$0x20]  }
0x85: {  	v5 =	vld [tilespmem:s22+$0xFFFFFFC8]  }
0x86: {  	[tilespmem:s18+$0xFFFFFFE8] =	vst v2;
	v12 =	vadd.f32 v57, v56;
	v2 =	vld [tilespmem:s5+$0xFFFFFFD0]  }
0x87: {  	v59 =	vld [tilespmem:s8+$0xFFFFFFF0];
	v0 =	vadd.f32 v0, v6  }
0x88: {  	v52 =	vld [tilespmem:s6+$0xFFFFFF84];
	[tilespmem:s19+$0x98] =	vst v12  }
0x89: {  	v12 =	vld [tilespmem:s22+$0xA8];
	v4 =	vadd.f32 v4, v55;
	[tilespmem:s19+$0xFFFFFF50] =	vst v0  }
0x8a: {  	v0 =	vld [tilespmem:s22+$0xFFFFFF60]  }
0x8b: {  	v2 =	vadd.f32 v2, v5;
	[tilespmem:s19+$0x20] =	vst v4;
	v58 =	vld [tilespmem:s5+$0xFFFFFF70]  }
0x8c: {  	v5 =	vld [tilespmem:s22+$0x30]  }
0x8d: {  	[tilespmem:s19+$0xFFFFFFC8] =	vst v2;
	v2 =	vld [tilespmem:s5+$0x30]  }
0x8e: {  	v4 =	vld [tilespmem:s5+$0xA0]  }
0x8f: {  	v60 =	vld [tilespmem:s22+$0xFFFFFFD8]  }
0x90: {  	v61 =	vld [tilespmem:s5+$0xFFFFFFE0];
	v0 =	vadd.f32 v58, v0  }
0x91: {  	v8 =	vadd.f32 v48, v8;
	v3 =	vld [tilespmem:s8+$0xFFFFFFE0]  }
0x92: {  	v6 =	vld [tilespmem:s6+$0xFFFFFFEC];
	v2 =	vadd.f32 v2, v5;
	[tilespmem:s19+$0xFFFFFF60] =	vst v0  }
0x93: {  	[tilespmem:s18+$0x50] =	vst v8;
	v0 =	vadd.f32 v4, v12;
	v4 =	vld [tilespmem:s22+$0xFFFFFF70]  }
0x94: {  	[tilespmem:s19+$0x30] =	vst v2;
	v8 =	vld [tilespmem:s5+$0xFFFFFF80]  }
0x95: {  	v9 =	vadd.f32 v61, v60;
	v62 =	vld [tilespmem:s22+$0x40];
	[tilespmem:s19+$0xA8] =	vst v0  }
0x96: {  	v5 =	vld [tilespmem:s22+$0xB8]  }
0x97: {  	[tilespmem:s19+$0xFFFFFFD8] =	vst v9;
	v2 =	vld [tilespmem:s5+$0xB0]  }
0x98: {  	v1 =	vadd.f32 v7, v1;
	v7 =	vld [tilespmem:s22+$0xFFFFFFE8]  }
0x99: {  	v4 =	vadd.f32 v8, v4;
	v8 =	vld [tilespmem:s5+$0x40]  }
0x9a: {  	v0 =	vld [tilespmem:s6+$0x54]  }
0x9b: {  	v63 =	vadd.f32 v3, v52;
	[tilespmem:s19+$0xFFFFFF70] =	vst v4;
	v4 =	vld [tilespmem:s5+$0xFFFFFFF0]  }
0x9c: {  	[tilespmem:s18+$0xBC] =	vst v1;
	v1 =	vadd.f32 v2, v5;
	v3 =	vld [tilespmem:s22+$0xFFFFFF80]  }
0x9d: {  	[tilespmem:s18+$0xFFFFFF84] =	vst v63;
	v6 =	vadd.f32 v59, v6;
	v5 =	vld [tilespmem:s5+$0xFFFFFF90]  }
0x9e: {  	v2 =	vld [tilespmem:s8+$0x0];
	[tilespmem:s19+$0xB8] =	vst v1;
	v8 =	vadd.f32 v8, v62  }
0x9f: {  	[tilespmem:s18+$0xFFFFFFEC] =	vst v6;
	s6 =	simm.s32 $0x14A18;
	v1 =	vld [tilespmem:s22+$0xBC]  }
0xa0: {  	s20 =	simm.s32 $0x4;
	s9 =	simm.s32 $0x15A48;
	s8 =	simm.s32 $0x100F8;
	v6 =	vadd.f32 v4, v7;
	[tilespmem:s19+$0x40] =	vst v8;
	v4 =	vld [tilespmem:s6+$0x10]  }
.LBB2_6:
0xa1: {  	v7 =	vld [tilespmem:s9+$0x68];
	s5 =	sadd.s32 $0x180, s5  }
0xa2: {  	v8 =	vld [tilespmem:s5+$0x60];
	v3 =	vadd.f32 v5, v3;
	[tilespmem:s19+$0xFFFFFFE8] =	vst v6  }
0xa3: {  	v5 =	vld [tilespmem:s5+$0xFFFFFF40];
	v0 =	vadd.f32 v2, v0  }
0xa4: {  	v2 =	vld [tilespmem:s9+$0xFFFFFF98];
	[tilespmem:s19+$0xFFFFFF80] =	vst v3  }
0xa5: {  	v3 =	vld [tilespmem:s5+$0xFFFFFFA0];
	v1 =	vadd.f32 v4, v1;
	[tilespmem:s18+$0x54] =	vst v0;
	s18 =	smov.u32 s19  }
0xa6: {  	v0 =	vld [tilespmem:s9+$0x0]  }
0xa7: {  	v4 =	vld [tilespmem:s5+$0x0];
	v6 =	vadd.f32 v8, v7;
	[tilespmem:s19+$0xBC] =	vst v1  }
0xa8: {  	s20 =	sadd.s32 $0x4, s20;
	s19 =	sadd.s32 $0x1A0, s19;
	v1 =	vld [tilespmem:s9+$0xFFFFFF30]  }
0xa9: {  	p1 =	slt.u32 s20, $0x60;
	[tilespmem:s19+$0x68] =	vst v6;
	v6 =	vld [tilespmem:s22+$0x50]  }
0xaa: {  	v2 =	vadd.f32 v3, v2;
	v3 =	vld [tilespmem:s9+$0x78]  }
0xab: {  	v7 =	vld [tilespmem:s5+$0x70]  }
0xac: {  	[tilespmem:s19+$0xFFFFFF98] =	vst v2;
	v0 =	vadd.f32 v4, v0;
	v2 =	vld [tilespmem:s8+$0x50];
	s8 =	smov.u32 s5  }
0xad: {  	v1 =	vadd.f32 v5, v1;
	v4 =	vld [tilespmem:s9+$0xFFFFFFA8]  }
0xae: {  	v5 =	vld [tilespmem:s5+$0xFFFFFFB0];
	[tilespmem:s19+$0x0] =	vst v0  }
0xaf: {  	[tilespmem:s19+$0xFFFFFF30] =	vst v1;
	v0 =	vld [tilespmem:s9+$0x10]  }
0xb0: {  	v1 =	vld [tilespmem:s9+$0xFFFFFF40];
	v3 =	vadd.f32 v7, v3  }
0xb1: {  	v7 =	vld [tilespmem:s5+$0xFFFFFF50];
	v2 =	vadd.f32 v2, v6  }
0xb2: {  	v6 =	vld [tilespmem:s5+$0x10];
	[tilespmem:s19+$0x78] =	vst v3  }
0xb3: {  	v3 =	vadd.f32 v5, v4;
	v4 =	vld [tilespmem:s9+$0x88];
	[tilespmem:s18+$0x50] =	vst v2  }
0xb4: {  	v2 =	vld [tilespmem:s5+$0x80]  }
0xb5: {  	[tilespmem:s19+$0xFFFFFFA8] =	vst v3;
	v3 =	vld [tilespmem:s22+$0xFFFFFF84]  }
0xb6: {  	v1 =	vadd.f32 v7, v1;
	v5 =	vld [tilespmem:s9+$0xFFFFFFB8]  }
0xb7: {  	v7 =	vld [tilespmem:s5+$0xFFFFFFC0];
	v0 =	vadd.f32 v6, v0  }
0xb8: {  	[tilespmem:s19+$0xFFFFFF40] =	vst v1;
	v1 =	vld [tilespmem:s6+$0xFFFFFFE0]  }
0xb9: {  	v6 =	vld [tilespmem:s9+$0xFFFFFF50];
	[tilespmem:s19+$0x10] =	vst v0;
	v0 =	vadd.f32 v2, v4  }
0xba: {  	v2 =	vld [tilespmem:s5+$0xFFFFFF60]  }
0xbb: {  	v4 =	vld [tilespmem:s9+$0x20];
	[tilespmem:s19+$0x88] =	vst v0  }
0xbc: {  	v0 =	vadd.f32 v7, v5;
	v5 =	vld [tilespmem:s9+$0x98]  }
0xbd: {  	v7 =	vld [tilespmem:s5+$0x90];
	v1 =	vadd.f32 v1, v3  }
0xbe: {  	[tilespmem:s19+$0xFFFFFFB8] =	vst v0;
	v0 =	vld [tilespmem:s5+$0x20]  }
0xbf: {  	v2 =	vadd.f32 v2, v6;
	v3 =	vld [tilespmem:s9+$0xFFFFFFC8];
	[tilespmem:s18+$0xFFFFFF84] =	vst v1  }
0xc0: {  	v1 =	vld [tilespmem:s5+$0xFFFFFFD0]  }
0xc1: {  	[tilespmem:s19+$0xFFFFFF50] =	vst v2;
	v2 =	vld [tilespmem:s22+$0xFFFFFFEC]  }
0xc2: {  	v6 =	vld [tilespmem:s9+$0xFFFFFF60];
	v5 =	vadd.f32 v7, v5  }
0xc3: {  	v7 =	vld [tilespmem:s5+$0xFFFFFF70];
	v0 =	vadd.f32 v0, v4  }
0xc4: {  	[tilespmem:s19+$0x98] =	vst v5;
	v4 =	vld [tilespmem:s6+$0xFFFFFFF0]  }
0xc5: {  	v1 =	vadd.f32 v1, v3;
	[tilespmem:s19+$0x20] =	vst v0;
	v0 =	vld [tilespmem:s9+$0xA8]  }
0xc6: {  	v3 =	vld [tilespmem:s5+$0xA0]  }
0xc7: {  	[tilespmem:s19+$0xFFFFFFC8] =	vst v1;
	v1 =	vld [tilespmem:s9+$0x30]  }
0xc8: {  	v5 =	vadd.f32 v7, v6;
	v6 =	vld [tilespmem:s5+$0x30]  }
0xc9: {  	v7 =	vld [tilespmem:s9+$0xFFFFFFD8];
	v2 =	vadd.f32 v4, v2  }
0xca: {  	[tilespmem:s19+$0xFFFFFF60] =	vst v5;
	v4 =	vld [tilespmem:s5+$0xFFFFFFE0]  }
0xcb: {  	v5 =	vld [tilespmem:s9+$0xFFFFFF70];
	v0 =	vadd.f32 v3, v0;
	[tilespmem:s18+$0xFFFFFFEC] =	vst v2  }
0xcc: {  	v2 =	vld [tilespmem:s5+$0xFFFFFF80]  }
0xcd: {  	v1 =	vadd.f32 v6, v1;
	[tilespmem:s19+$0xA8] =	vst v0;
	v0 =	vld [tilespmem:s22+$0x54];
	s22 =	smov.u32 s9  }
0xce: {  	v6 =	vld [tilespmem:s9+$0xB8]  }
0xcf: {  	v3 =	vadd.f32 v4, v7;
	[tilespmem:s19+$0x30] =	vst v1;
	v1 =	vld [tilespmem:s5+$0xB0]  }
0xd0: {  	v4 =	vld [tilespmem:s9+$0x40]  }
0xd1: {  	v2 =	vadd.f32 v2, v5;
	[tilespmem:s19+$0xFFFFFFD8] =	vst v3;
	v7 =	vld [tilespmem:s5+$0x40]  }
0xd2: {  	v8 =	vld [tilespmem:s9+$0xFFFFFFE8]  }
0xd3: {  	[tilespmem:s19+$0xFFFFFF70] =	vst v2;
	v9 =	vld [tilespmem:s5+$0xFFFFFFF0]  }
.Ltmp2:
0xd4: {  	v3 =	vld [tilespmem:s9+$0xFFFFFF80];
	v1 =	vadd.f32 v1, v6;
	(pc) =	sbr.rel @p1 .LBB2_6-.Ltmp2, $4  }
0xd5: {  	v5 =	vld [tilespmem:s5+$0xFFFFFF90]  }
0xd6: {  	v4 =	vadd.f32 v7, v4;
	[tilespmem:s19+$0xB8] =	vst v1;
	v2 =	vld [tilespmem:s6+$0x0]  }
0xd7: {  	s6 =	sadd.s32 $0x40, s6;
	v1 =	vld [tilespmem:s9+$0xBC]  }
0xd8: {  	s9 =	sadd.s32 $0x1A0, s9;
	v6 =	vadd.f32 v9, v8;
	[tilespmem:s19+$0x40] =	vst v4;
	v4 =	vld [tilespmem:s6+$0x10]  }
0xd9: {  	v7 =	vld [tilespmem:s22+$0x50]  }
0xda: {  	v8 =	vld [tilespmem:s8+$0x50]  }
0xdb: {  	v3 =	vadd.f32 v5, v3;
	_ =	sdelay $0x1  }
0xdc: {  	[tilespmem:s19+$0xFFFFFF80] =	vst v3  }
0xdd: {  	v3 =	vld [tilespmem:s22+$0xFFFFFF84]  }
0xde: {  	[tilespmem:s19+$0xFFFFFFE8] =	vst v6;
	v6 =	vld [tilespmem:s6+$0xFFFFFFE0];
	v5 =	vadd.f32 v8, v7  }
0xdf: {  	v7 =	vld [tilespmem:s22+$0xFFFFFFEC]  }
0xe0: {  	[tilespmem:s19+$0x50] =	vst v5;
	v5 =	vld [tilespmem:s6+$0xFFFFFFF0]  }
0xe1: {  	v8 =	vld [tilespmem:s22+$0x54]  }
0xe2: {  	v9 =	vld [tilespmem:s6+$0x0]  }
0xe3: {  	v0 =	vadd.f32 v2, v0  }
0xe4: {  	v1 =	vadd.f32 v4, v1  }
0xe5: {  	s5 =	sadd.s32 s11, s3;
	[tilespmem:s18+$0x54] =	vst v0;
	v0 =	vadd.f32 v6, v3  }
0xe6: {  	s5 =	smul.u32 $0x5140, s5;
	[tilespmem:s19+$0xBC] =	vst v1;
	v1 =	vadd.f32 v5, v7  }
0xe7: {  	[tilespmem:s19+$0xFFFFFF84] =	vst v0;
	v0 =	vadd.f32 v9, v8  }
0xe8: {  	p1 =	sne.s32 s3, $0x7F;
	s5 =	sshrl.u32 s5, $0x3;
	[tilespmem:s19+$0xFFFFFFEC] =	vst v1  }
0xe9: {  	s18 =	sadd.s32 s7, s5;
	s5 =	simm.s32 @p1 $0x5;
	[tilespmem:s19+$0x54] =	vst v0  }
0xea: {  	[hbm4b:s18+s2] =	stream.linear.scatter [tilespmem:s28], [sflag:$0x3], $0x28A0, $0x38;
	[tilespmem:$0x1FBF8] =	vst v63  }
0xeb: {  	_ =	swait.ge @p1 [sflag:s5], $0x68  }
0xec: {  	s8 =	simm.s32 @p1 $0x15638;
	[sflag:s5] =	ssyncset.done @p1 $0x0  }
0xed: {  	s6 =	simm.s32 @p1 $0xFDE8;
	[sflag:s5] =	ssyncadd.s32 @p1 $0xFFFFFF98;
	s5 =	simm.s32 @p1 $0x68  }
0xee: {  	[tilespmem:s8], [sflag:$0x1] =	stream.indirect.gather @p1 [spmem:s1], $0x68, s6, s5, $0xb8;
	[tilespmem:$0x1FBF8] =	vst v63  }
0xef: {  	s5 =	simm.s32 @p1 $0x2;
	s6 =	smul.u32 @p1 $0xD0, s3  }
0xf0: {  	_ =	swait.ge @p1 [sflag:s5], $0x2A40  }
0xf1: {  	[sflag:s5] =	ssyncset.done @p1 $0x0;
	s6 =	sadd.s32 @p1 s6, s14  }
0xf2: {  	[sflag:s5] =	ssyncadd.s32 @p1 $0xFFFFD5C0;
	s5 =	sshrl.u32 @p1 s6, $0x3  }
0xf3: {  	s8 =	simm.s32 @p1 $0xFE50;
	s6 =	simm.s32 @p1 $0x0;
	s5 =	sadd.s32 @p1 s4, s5  }
0xf4: {  	[tilespmem:s8], [sflag:$0x6] =	stream.linear.gather @p1 [hbm4b:s5+s6], $0x68, $0x38;
	[tilespmem:$0x1FBF8] =	vst v63  }
0xf5: {  	s5 =	simm.s32 @!p1 $0x2  }
0xf6: {  	_ =	swait.ge @!p1 [sflag:s5], $0x2A40  }
0xf7: {  	[sflag:s5] =	ssyncset.done @!p1 $0x0  }
0xf8: {  	[sflag:s5] =	ssyncadd.s32 @!p1 $0xFFFFD5C0;
	s5 =	simm.s32 @!p0 $0x4  }
0xf9: {  	_ =	swait.ge @!p0 [sflag:s5], $0x28A0  }
0xfa: {  	[sflag:s5] =	ssyncset.done @!p0 $0x0  }
0xfb: {  	s20 =	simm.s32 $0x18204;
	[sflag:s5] =	ssyncadd.s32 @!p0 $0xFFFFD760  }
0xfc: {  	s12 =	simm.s32 $0x125A8;
	v0 =	vld [tilespmem:s20+$0xFFFFFFAC]  }
0xfd: {  	v1 =	vld [tilespmem:s12+$0xFFFFFFB0]  }
0xfe: {  	v2 =	vld [tilespmem:s20+$0xFFFFFEDC]  }
0xff: {  	v3 =	vld [tilespmem:s12+$0xFFFFFEF0]  }
0x100: {  	v4 =	vld [tilespmem:s20+$0xFFFFFE74]  }
0x101: {  	s22 =	simm.s32 $0x183A4;
	v6 =	vld [tilespmem:s12+$0xFFFFFF50]  }
0x102: {  	v8 =	vld [tilespmem:s22+$0xFFFFFFAC];
	v0 =	vadd.f32 v1, v0  }
0x103: {  	s19 =	simm.s32 $0x1D4E4;
	s6 =	simm.s32 $0x12728;
	v1 =	vld [tilespmem:s12+$0xFFFFFE90]  }
0x104: {  	v44 =	vld [tilespmem:s6+$0xFFFFFFB0];
	[tilespmem:s19+$0xFFFFFFAC] =	vst v0  }
0x105: {  	v0 =	vld [tilespmem:s20+$0xFFFFFFBC]  }
0x106: {  	v2 =	vadd.f32 v3, v2;
	v5 =	vld [tilespmem:s12+$0xFFFFFFC0]  }
0x107: {  	v10 =	vld [tilespmem:s6+$0xFFFFFE90]  }
0x108: {  	v3 =	vld [tilespmem:s20+$0xFFFFFF44];
	[tilespmem:s19+$0xFFFFFEDC] =	vst v2;
	v1 =	vadd.f32 v1, v4  }
0x109: {  	v2 =	vld [tilespmem:s20+$0xFFFFFEEC]  }
0x10a: {  	v4 =	vld [tilespmem:s12+$0xFFFFFF00];
	[tilespmem:s19+$0xFFFFFE74] =	vst v1  }
0x10b: {  	v0 =	vadd.f32 v5, v0;
	v1 =	vld [tilespmem:s20+$0xFFFFFE84]  }
0x10c: {  	v5 =	vld [tilespmem:s12+$0xFFFFFEA0]  }
0x10d: {  	v11 =	vld [tilespmem:s22+$0xFFFFFEDC];
	[tilespmem:s19+$0xFFFFFFBC] =	vst v0;
	v0 =	vadd.f32 v6, v3  }
0x10e: {  	v3 =	vld [tilespmem:s20+$0xFFFFFFCC]  }
0x10f: {  	v6 =	vld [tilespmem:s12+$0xFFFFFFD0];
	[tilespmem:s19+$0xFFFFFF44] =	vst v0;
	v0 =	vadd.f32 v4, v2  }
0x110: {  	v2 =	vld [tilespmem:s20+$0xFFFFFF54]  }
0x111: {  	v4 =	vld [tilespmem:s12+$0xFFFFFF60];
	[tilespmem:s19+$0xFFFFFEEC] =	vst v0;
	v0 =	vadd.f32 v5, v1  }
0x112: {  	v1 =	vld [tilespmem:s20+$0xFFFFFEFC]  }
0x113: {  	v5 =	vld [tilespmem:s12+$0xFFFFFF10];
	[tilespmem:s19+$0xFFFFFE84] =	vst v0  }
0x114: {  	v0 =	vadd.f32 v6, v3;
	v3 =	vld [tilespmem:s20+$0xFFFFFE94]  }
0x115: {  	v6 =	vld [tilespmem:s12+$0xFFFFFEB0]  }
0x116: {  	v12 =	vld [tilespmem:s6+$0xFFFFFEF0];
	[tilespmem:s19+$0xFFFFFFCC] =	vst v0;
	v0 =	vadd.f32 v4, v2  }
0x117: {  	v2 =	vld [tilespmem:s20+$0xFFFFFFDC]  }
0x118: {  	v4 =	vld [tilespmem:s12+$0xFFFFFFE0];
	[tilespmem:s19+$0xFFFFFF54] =	vst v0;
	v0 =	vadd.f32 v5, v1  }
0x119: {  	v1 =	vld [tilespmem:s20+$0xFFFFFF64]  }
0x11a: {  	[tilespmem:s19+$0xFFFFFEFC] =	vst v0;
	v0 =	vld [tilespmem:s12+$0xFFFFFF70];
	v3 =	vadd.f32 v6, v3  }
0x11b: {  	v5 =	vld [tilespmem:s20+$0xFFFFFF0C]  }
0x11c: {  	v8 =	vadd.f32 v44, v8;
	v6 =	vld [tilespmem:s12+$0xFFFFFF20];
	[tilespmem:s19+$0xFFFFFE94] =	vst v3  }
0x11d: {  	s5 =	simm.s32 $0x1D684;
	v2 =	vadd.f32 v4, v2;
	v3 =	vld [tilespmem:s20+$0xFFFFFEA4]  }
0x11e: {  	[tilespmem:s5+$0xFFFFFFAC] =	vst v8;
	v4 =	vld [tilespmem:s12+$0xFFFFFEC0]  }
0x11f: {  	v46 =	vld [tilespmem:s22+$0xFFFFFFBC];
	[tilespmem:s19+$0xFFFFFFDC] =	vst v2;
	v0 =	vadd.f32 v0, v1  }
0x120: {  	v1 =	vld [tilespmem:s20+$0xFFFFFFEC]  }
0x121: {  	v2 =	vld [tilespmem:s12+$0xFFFFFFF0];
	v5 =	vadd.f32 v6, v5;
	[tilespmem:s19+$0xFFFFFF64] =	vst v0  }
0x122: {  	v0 =	vld [tilespmem:s20+$0xFFFFFF74]  }
0x123: {  	[tilespmem:s19+$0xFFFFFF0C] =	vst v5;
	v3 =	vadd.f32 v4, v3;
	v4 =	vld [tilespmem:s12+$0xFFFFFF80]  }
0x124: {  	v5 =	vld [tilespmem:s20+$0xFFFFFF1C]  }
0x125: {  	[tilespmem:s19+$0xFFFFFEA4] =	vst v3;
	v3 =	vld [tilespmem:s12+$0xFFFFFF30]  }
0x126: {  	v47 =	vld [tilespmem:s6+$0xFFFFFFC0];
	v1 =	vadd.f32 v2, v1  }
0x127: {  	v2 =	vld [tilespmem:s20+$0xFFFFFEB4]  }
0x128: {  	v6 =	vld [tilespmem:s12+$0xFFFFFED0];
	[tilespmem:s19+$0xFFFFFFEC] =	vst v1;
	v0 =	vadd.f32 v4, v0  }
0x129: {  	v1 =	vld [tilespmem:s20+$0xFFFFFFFC]  }
0x12a: {  	v4 =	vld [tilespmem:s12+$0x0];
	v3 =	vadd.f32 v3, v5;
	[tilespmem:s19+$0xFFFFFF74] =	vst v0  }
0x12b: {  	v45 =	vadd.f32 v12, v11;
	v0 =	vld [tilespmem:s20+$0xFFFFFF84]  }
0x12c: {  	[tilespmem:s19+$0xFFFFFF1C] =	vst v3;
	v3 =	vld [tilespmem:s12+$0xFFFFFF90]  }
0x12d: {  	v13 =	vld [tilespmem:s6+$0xFFFFFF50];
	[tilespmem:s5+$0xFFFFFEDC] =	vst v45;
	v11 =	vadd.f32 v47, v46  }
0x12e: {  	v49 =	vld [tilespmem:s22+$0xFFFFFEEC];
	v2 =	vadd.f32 v6, v2  }
0x12f: {  	v50 =	vld [tilespmem:s6+$0xFFFFFF00];
	[tilespmem:s5+$0xFFFFFFBC] =	vst v11  }
0x130: {  	v11 =	vld [tilespmem:s22+$0xFFFFFFCC];
	[tilespmem:s19+$0xFFFFFEB4] =	vst v2  }
0x131: {  	v1 =	vadd.f32 v4, v1;
	v4 =	vld [tilespmem:s20+$0xFFFFFEC4];
	v0 =	vadd.f32 v3, v0  }
0x132: {  	v6 =	vld [tilespmem:s12+$0xFFFFFEE0]  }
0x133: {  	[tilespmem:s19+$0xFFFFFF84] =	vst v0;
	v0 =	vld [tilespmem:s22+$0xFFFFFE74]  }
0x134: {  	v3 =	vld [tilespmem:s22+$0xFFFFFF44]  }
0x135: {  	v5 =	vld [tilespmem:s20+$0xFFFFFF2C]  }
0x136: {  	v2 =	vld [tilespmem:s12+$0xFFFFFF40];
	[tilespmem:s19+$0xFFFFFFFC] =	vst v1  }
0x137: {  	s9 =	simm.s32 $0x15028;
	v1 =	vld [tilespmem:s20+$0x0];
	v4 =	vadd.f32 v6, v4  }
0x138: {  	v7 =	vld [tilespmem:s9+$0x0];
	v0 =	vadd.f32 v10, v0  }
0x139: {  	v8 =	vld [tilespmem:s20+$0xFFFFFF94];
	[tilespmem:s19+$0xFFFFFEC4] =	vst v4;
	v3 =	vadd.f32 v13, v3  }
0x13a: {  	v4 =	vld [tilespmem:s6+$0xFFFFFFD0];
	[tilespmem:s5+$0xFFFFFE74] =	vst v0  }
0x13b: {  	[tilespmem:s5+$0xFFFFFF44] =	vst v3;
	v3 =	vld [tilespmem:s22+$0xFFFFFE84]  }
0x13c: {  	v10 =	vadd.f32 v50, v49;
	v51 =	vld [tilespmem:s6+$0xFFFFFEA0]  }
0x13d: {  	v6 =	vld [tilespmem:s6+$0xFFFFFF60]  }
0x13e: {  	v0 =	vld [tilespmem:s22+$0xFFFFFF54];
	[tilespmem:s5+$0xFFFFFEEC] =	vst v10  }
0x13f: {  	v4 =	vadd.f32 v4, v11;
	v53 =	vld [tilespmem:s22+$0xFFFFFEFC]  }
0x140: {  	v54 =	vld [tilespmem:s6+$0xFFFFFF10]  }
0x141: {  	v48 =	vld [tilespmem:s12+$0xFFFFFFA0];
	[tilespmem:s5+$0xFFFFFFCC] =	vst v4;
	v3 =	vadd.f32 v51, v3  }
0x142: {  	v56 =	vld [tilespmem:s22+$0xFFFFFFDC]  }
0x143: {  	v57 =	vld [tilespmem:s6+$0xFFFFFFE0];
	v0 =	vadd.f32 v6, v0;
	[tilespmem:s5+$0xFFFFFE84] =	vst v3  }
0x144: {  	v6 =	vld [tilespmem:s22+$0xFFFFFE94]  }
0x145: {  	v4 =	vadd.f32 v54, v53;
	[tilespmem:s5+$0xFFFFFF54] =	vst v0;
	v0 =	vld [tilespmem:s6+$0xFFFFFEB0]  }
0x146: {  	v55 =	vld [tilespmem:s22+$0xFFFFFF64]  }
0x147: {  	v2 =	vadd.f32 v2, v5;
	[tilespmem:s5+$0xFFFFFEFC] =	vst v4;
	v4 =	vld [tilespmem:s6+$0xFFFFFF70]  }
0x148: {  	v5 =	vld [tilespmem:s22+$0xFFFFFF0C]  }
0x149: {  	[tilespmem:s19+$0xFFFFFF2C] =	vst v2;
	v12 =	vadd.f32 v57, v56;
	v2 =	vld [tilespmem:s6+$0xFFFFFF20]  }
0x14a: {  	v59 =	vld [tilespmem:s9+$0xFFFFFFE0];
	v0 =	vadd.f32 v0, v6  }
0x14b: {  	v52 =	vld [tilespmem:s20+$0xFFFFFEC8];
	[tilespmem:s5+$0xFFFFFFDC] =	vst v12  }
0x14c: {  	v12 =	vld [tilespmem:s22+$0xFFFFFFEC];
	v4 =	vadd.f32 v4, v55;
	[tilespmem:s5+$0xFFFFFE94] =	vst v0  }
0x14d: {  	v0 =	vld [tilespmem:s22+$0xFFFFFEA4]  }
0x14e: {  	v2 =	vadd.f32 v2, v5;
	[tilespmem:s5+$0xFFFFFF64] =	vst v4;
	v58 =	vld [tilespmem:s6+$0xFFFFFEC0]  }
0x14f: {  	v5 =	vld [tilespmem:s22+$0xFFFFFF74]  }
0x150: {  	[tilespmem:s5+$0xFFFFFF0C] =	vst v2;
	v2 =	vld [tilespmem:s6+$0xFFFFFF80]  }
0x151: {  	v4 =	vld [tilespmem:s6+$0xFFFFFFF0]  }
0x152: {  	v60 =	vld [tilespmem:s22+$0xFFFFFF1C]  }
0x153: {  	v61 =	vld [tilespmem:s6+$0xFFFFFF30];
	v0 =	vadd.f32 v58, v0  }
0x154: {  	v8 =	vadd.f32 v48, v8;
	v3 =	vld [tilespmem:s9+$0xFFFFFFD0]  }
0x155: {  	v6 =	vld [tilespmem:s20+$0xFFFFFF30];
	v2 =	vadd.f32 v2, v5;
	[tilespmem:s5+$0xFFFFFEA4] =	vst v0  }
0x156: {  	[tilespmem:s19+$0xFFFFFF94] =	vst v8;
	v0 =	vadd.f32 v4, v12;
	v4 =	vld [tilespmem:s22+$0xFFFFFEB4]  }
0x157: {  	[tilespmem:s5+$0xFFFFFF74] =	vst v2;
	v8 =	vld [tilespmem:s6+$0xFFFFFED0]  }
0x158: {  	v9 =	vadd.f32 v61, v60;
	v62 =	vld [tilespmem:s22+$0xFFFFFF84];
	[tilespmem:s5+$0xFFFFFFEC] =	vst v0  }
0x159: {  	v5 =	vld [tilespmem:s22+$0xFFFFFFFC]  }
0x15a: {  	[tilespmem:s5+$0xFFFFFF1C] =	vst v9;
	v2 =	vld [tilespmem:s6+$0x0]  }
0x15b: {  	v1 =	vadd.f32 v7, v1;
	v7 =	vld [tilespmem:s22+$0xFFFFFF2C]  }
0x15c: {  	v4 =	vadd.f32 v8, v4;
	v8 =	vld [tilespmem:s6+$0xFFFFFF90]  }
0x15d: {  	v0 =	vld [tilespmem:s20+$0xFFFFFF98]  }
0x15e: {  	v63 =	vadd.f32 v3, v52;
	[tilespmem:s5+$0xFFFFFEB4] =	vst v4;
	v4 =	vld [tilespmem:s6+$0xFFFFFF40]  }
0x15f: {  	[tilespmem:s19+$0x0] =	vst v1;
	v1 =	vadd.f32 v2, v5;
	v3 =	vld [tilespmem:s22+$0xFFFFFEC4]  }
0x160: {  	[tilespmem:s19+$0xFFFFFEC8] =	vst v63;
	v6 =	vadd.f32 v59, v6;
	v5 =	vld [tilespmem:s6+$0xFFFFFEE0]  }
0x161: {  	v2 =	vld [tilespmem:s9+$0xFFFFFFF0];
	[tilespmem:s5+$0xFFFFFFFC] =	vst v1;
	v8 =	vadd.f32 v8, v62  }
0x162: {  	[tilespmem:s19+$0xFFFFFF30] =	vst v6;
	s20 =	simm.s32 $0x15068;
	v1 =	vld [tilespmem:s22+$0x0]  }
0x163: {  	s8 =	simm.s32 $0x4;
	s12 =	simm.s32 $0x18544;
	s9 =	simm.s32 $0x12728;
	v6 =	vadd.f32 v4, v7;
	[tilespmem:s5+$0xFFFFFF84] =	vst v8;
	v4 =	vld [tilespmem:s20+$0x0]  }
.LBB2_8:
0x164: {  	v7 =	vld [tilespmem:s12+$0xFFFFFFAC];
	s6 =	sadd.s32 $0x180, s6  }
0x165: {  	v8 =	vld [tilespmem:s6+$0xFFFFFFB0];
	v3 =	vadd.f32 v5, v3;
	[tilespmem:s5+$0xFFFFFF2C] =	vst v6  }
0x166: {  	v5 =	vld [tilespmem:s6+$0xFFFFFE90];
	v0 =	vadd.f32 v2, v0  }
0x167: {  	v2 =	vld [tilespmem:s12+$0xFFFFFEDC];
	[tilespmem:s5+$0xFFFFFEC4] =	vst v3  }
0x168: {  	v3 =	vld [tilespmem:s6+$0xFFFFFEF0];
	v1 =	vadd.f32 v4, v1;
	[tilespmem:s19+$0xFFFFFF98] =	vst v0;
	s19 =	smov.u32 s5  }
0x169: {  	v0 =	vld [tilespmem:s12+$0xFFFFFF44]  }
0x16a: {  	v4 =	vld [tilespmem:s6+$0xFFFFFF50];
	v6 =	vadd.f32 v8, v7;
	[tilespmem:s5+$0x0] =	vst v1  }
0x16b: {  	s8 =	sadd.s32 $0x4, s8;
	s5 =	sadd.s32 $0x1A0, s5;
	v1 =	vld [tilespmem:s12+$0xFFFFFE74]  }
0x16c: {  	p0 =	slt.u32 s8, $0x60;
	[tilespmem:s5+$0xFFFFFFAC] =	vst v6;
	v6 =	vld [tilespmem:s22+$0xFFFFFF94]  }
0x16d: {  	v2 =	vadd.f32 v3, v2;
	v3 =	vld [tilespmem:s12+$0xFFFFFFBC]  }
0x16e: {  	v7 =	vld [tilespmem:s6+$0xFFFFFFC0]  }
0x16f: {  	[tilespmem:s5+$0xFFFFFEDC] =	vst v2;
	v0 =	vadd.f32 v4, v0;
	v2 =	vld [tilespmem:s9+$0xFFFFFFA0];
	s9 =	smov.u32 s6  }
0x170: {  	v1 =	vadd.f32 v5, v1;
	v4 =	vld [tilespmem:s12+$0xFFFFFEEC]  }
0x171: {  	v5 =	vld [tilespmem:s6+$0xFFFFFF00];
	[tilespmem:s5+$0xFFFFFF44] =	vst v0  }
0x172: {  	[tilespmem:s5+$0xFFFFFE74] =	vst v1;
	v0 =	vld [tilespmem:s12+$0xFFFFFF54]  }
0x173: {  	v1 =	vld [tilespmem:s12+$0xFFFFFE84];
	v3 =	vadd.f32 v7, v3  }
0x174: {  	v7 =	vld [tilespmem:s6+$0xFFFFFEA0];
	v2 =	vadd.f32 v2, v6  }
0x175: {  	v6 =	vld [tilespmem:s6+$0xFFFFFF60];
	[tilespmem:s5+$0xFFFFFFBC] =	vst v3  }
0x176: {  	v3 =	vadd.f32 v5, v4;
	v4 =	vld [tilespmem:s12+$0xFFFFFFCC];
	[tilespmem:s19+$0xFFFFFF94] =	vst v2  }
0x177: {  	v2 =	vld [tilespmem:s6+$0xFFFFFFD0]  }
0x178: {  	[tilespmem:s5+$0xFFFFFEEC] =	vst v3;
	v3 =	vld [tilespmem:s22+$0xFFFFFEC8]  }
0x179: {  	v1 =	vadd.f32 v7, v1;
	v5 =	vld [tilespmem:s12+$0xFFFFFEFC]  }
0x17a: {  	v7 =	vld [tilespmem:s6+$0xFFFFFF10];
	v0 =	vadd.f32 v6, v0  }
0x17b: {  	[tilespmem:s5+$0xFFFFFE84] =	vst v1;
	v1 =	vld [tilespmem:s20+$0xFFFFFFD0]  }
0x17c: {  	v6 =	vld [tilespmem:s12+$0xFFFFFE94];
	[tilespmem:s5+$0xFFFFFF54] =	vst v0;
	v0 =	vadd.f32 v2, v4  }
0x17d: {  	v2 =	vld [tilespmem:s6+$0xFFFFFEB0]  }
0x17e: {  	v4 =	vld [tilespmem:s12+$0xFFFFFF64];
	[tilespmem:s5+$0xFFFFFFCC] =	vst v0  }
0x17f: {  	v0 =	vadd.f32 v7, v5;
	v5 =	vld [tilespmem:s12+$0xFFFFFFDC]  }
0x180: {  	v7 =	vld [tilespmem:s6+$0xFFFFFFE0];
	v1 =	vadd.f32 v1, v3  }
0x181: {  	[tilespmem:s5+$0xFFFFFEFC] =	vst v0;
	v0 =	vld [tilespmem:s6+$0xFFFFFF70]  }
0x182: {  	v2 =	vadd.f32 v2, v6;
	v3 =	vld [tilespmem:s12+$0xFFFFFF0C];
	[tilespmem:s19+$0xFFFFFEC8] =	vst v1  }
0x183: {  	v1 =	vld [tilespmem:s6+$0xFFFFFF20]  }
0x184: {  	[tilespmem:s5+$0xFFFFFE94] =	vst v2;
	v2 =	vld [tilespmem:s22+$0xFFFFFF30]  }
0x185: {  	v6 =	vld [tilespmem:s12+$0xFFFFFEA4];
	v5 =	vadd.f32 v7, v5  }
0x186: {  	v7 =	vld [tilespmem:s6+$0xFFFFFEC0];
	v0 =	vadd.f32 v0, v4  }
0x187: {  	[tilespmem:s5+$0xFFFFFFDC] =	vst v5;
	v4 =	vld [tilespmem:s20+$0xFFFFFFE0]  }
0x188: {  	v1 =	vadd.f32 v1, v3;
	[tilespmem:s5+$0xFFFFFF64] =	vst v0;
	v0 =	vld [tilespmem:s12+$0xFFFFFFEC]  }
0x189: {  	v3 =	vld [tilespmem:s6+$0xFFFFFFF0]  }
0x18a: {  	[tilespmem:s5+$0xFFFFFF0C] =	vst v1;
	v1 =	vld [tilespmem:s12+$0xFFFFFF74]  }
0x18b: {  	v5 =	vadd.f32 v7, v6;
	v6 =	vld [tilespmem:s6+$0xFFFFFF80]  }
0x18c: {  	v7 =	vld [tilespmem:s12+$0xFFFFFF1C];
	v2 =	vadd.f32 v4, v2  }
0x18d: {  	[tilespmem:s5+$0xFFFFFEA4] =	vst v5;
	v4 =	vld [tilespmem:s6+$0xFFFFFF30]  }
0x18e: {  	v5 =	vld [tilespmem:s12+$0xFFFFFEB4];
	v0 =	vadd.f32 v3, v0;
	[tilespmem:s19+$0xFFFFFF30] =	vst v2  }
0x18f: {  	v2 =	vld [tilespmem:s6+$0xFFFFFED0]  }
0x190: {  	v1 =	vadd.f32 v6, v1;
	[tilespmem:s5+$0xFFFFFFEC] =	vst v0;
	v0 =	vld [tilespmem:s22+$0xFFFFFF98];
	s22 =	smov.u32 s12  }
0x191: {  	v6 =	vld [tilespmem:s12+$0xFFFFFFFC]  }
0x192: {  	v3 =	vadd.f32 v4, v7;
	[tilespmem:s5+$0xFFFFFF74] =	vst v1;
	v1 =	vld [tilespmem:s6+$0x0]  }
0x193: {  	v4 =	vld [tilespmem:s12+$0xFFFFFF84]  }
0x194: {  	v2 =	vadd.f32 v2, v5;
	[tilespmem:s5+$0xFFFFFF1C] =	vst v3;
	v7 =	vld [tilespmem:s6+$0xFFFFFF90]  }
0x195: {  	v8 =	vld [tilespmem:s12+$0xFFFFFF2C]  }
0x196: {  	[tilespmem:s5+$0xFFFFFEB4] =	vst v2;
	v9 =	vld [tilespmem:s6+$0xFFFFFF40]  }
.Ltmp3:
0x197: {  	v3 =	vld [tilespmem:s12+$0xFFFFFEC4];
	v1 =	vadd.f32 v1, v6;
	(pc) =	sbr.rel @p0 .LBB2_8-.Ltmp3, $4  }
0x198: {  	v5 =	vld [tilespmem:s6+$0xFFFFFEE0]  }
0x199: {  	v4 =	vadd.f32 v7, v4;
	[tilespmem:s5+$0xFFFFFFFC] =	vst v1;
	v2 =	vld [tilespmem:s20+$0xFFFFFFF0]  }
0x19a: {  	s20 =	sadd.s32 $0x40, s20;
	v1 =	vld [tilespmem:s12+$0x0]  }
0x19b: {  	s12 =	sadd.s32 $0x1A0, s12;
	v6 =	vadd.f32 v9, v8;
	[tilespmem:s5+$0xFFFFFF84] =	vst v4;
	v4 =	vld [tilespmem:s20+$0x0]  }
0x19c: {  	v7 =	vld [tilespmem:s22+$0xFFFFFF94]  }
0x19d: {  	v8 =	vld [tilespmem:s9+$0xFFFFFFA0];
	_ =	sdelay $0x2  }
0x19e: {  	v3 =	vadd.f32 v5, v3;
	[tilespmem:s5+$0xFFFFFF2C] =	vst v6  }
0x19f: {  	v58 =	vld [tilespmem:s22+$0xFFFFFF30]  }
0x1a0: {  	v59 =	vld [tilespmem:s20+$0xFFFFFFE0];
	[tilespmem:s5+$0xFFFFFEC4] =	vst v3;
	v56 =	vadd.f32 v8, v7  }
0x1a1: {  	v3 =	vld [tilespmem:s22+$0xFFFFFEC8]  }
0x1a2: {  	v57 =	vld [tilespmem:s20+$0xFFFFFFD0];
	[tilespmem:s5+$0xFFFFFF94] =	vst v56  }
0x1a3: {  	v60 =	vld [tilespmem:s22+$0xFFFFFF98]  }
0x1a4: {  	v9 =	vld [tilespmem:s20+$0xFFFFFFF0]  }
0x1a5: {  	v0 =	vadd.f32 v2, v0  }
0x1a6: {  	s3 =	sadd.s32 $0x1, s3;
	v1 =	vadd.f32 v4, v1  }
0x1a7: {  	p0 =	sne.s32 s3, $0x80;
	[tilespmem:s19+$0xFFFFFF98] =	vst v0;
	v62 =	vadd.f32 v59, v58  }
.Ltmp4:
0x1a8: {  	[tilespmem:s5+$0x0] =	vst v1;
	v61 =	vadd.f32 v57, v3;
	(pc) =	sbr.rel @p0 .LBB2_2-.Ltmp4, $4  }
0x1a9: {  	[tilespmem:s5+$0xFFFFFF30] =	vst v62;
	v63 =	vadd.f32 v9, v60  }
0x1aa: {  	[tilespmem:s5+$0xFFFFFEC8] =	vst v61  }
0x1ab: {  	s22 =	sadd.s32 $0x514, s18;
	[tilespmem:s5+$0xFFFFFF98] =	vst v63  }
0x1ac: {  	[hbm4b:s22+s2] =	stream.linear.scatter [tilespmem:s29], [sflag:$0x4], $0x28A0, $0x38;
	[tilespmem:$0x1FBF8] =	vst v63  }
0x1ad: {  	s0 =	sadd.s32 $0x1, s0  }
0x1ae: {  	_ =	swait.ge [sflag:s30], $0x28A0;
	p0 =	sne.s32 s0, s15  }
.Ltmp5:
0x1af: {  	[sflag:s30] =	ssyncset.done $0x0;
	(pc) =	sbr.rel @p0 .LBB2_1-.Ltmp5, $4  }
0x1b0: {  	[sflag:s30] =	ssyncadd.s32 $0xFFFFD760  }
0x1b1: {  	_ =	swait.ge [sflag:s31], $0x28A0  }
0x1b2: {  	[sflag:s31] =	ssyncset.done $0x0  }
0x1b3: {  	[sflag:s31] =	ssyncadd.s32 $0xFFFFD760  }
0x1b4: {  	_ =	sfence.sel $0x180000  }
0x1b5: {  	[bflag:$0x0] =	sbarrier.arrive $0xFFFF  }
0x1b6: {  	_ =	strace $0x90000047  }
0x1b7: {  	s0 =	stileid.u32;
	[bflag:$0x2] =	sbarrier.arrive $0xFFFF  }
0x1b8: {  	p0 =	sne.s32 s0, $0x0;
	s0 =	rddreg [dreg:$0x3]  }
0x1b9: {  	s0 =	sadd.s32 @!p0 $0x100000, s0  }
0x1ba: {  	[sflag:s0] =	ssyncadd.tile.s32 @!p0 $0x1;
	_ =	shalt  }
.Lfunc_end2:
_tile_overlayer_lowered:
.L_overlay_start_2:
0x1bb: {  	(tag) =	ssettag $0x2  }
0x1bc: {  	s0 =	rddreg [dreg:$0x0];
	s2 =	stileid.u32  }
0x1bd: {  	s1 =	rddreg [dreg:$0x1];
	p0 =	sne.s32 s2, $0x0  }
0x1be: {  	s3 =	rddreg [dreg:$0x2];
	[bflag:$0x3] =	sbarrier.arrive $0xFFFF;
	s2 =	simm.s32 @!p0 $0x1C07  }
0x1bf: {  	[timem:s3], [sflag:s2] =	dma.local @!p0 [hbm:s0], s1  }
0x1c0: {  	s0 =	simm.s32 @!p0 $0x7  }
0x1c1: {  	_ =	swait.ge @!p0 [sflag:s0], s1  }
0x1c2: {  	s1 =	ssub.s32 @!p0 $0x0, s1;
	[sflag:s0] =	ssyncset.done @!p0 $0x0  }
0x1c3: {  	[sflag:s0] =	ssyncadd.s32 @!p0 s1  }
0x1c4: {  	[bflag:$0x3] =	sbarrier.arrive $0xFFFF  }
0x1c5: {  	_ =	shalt  }

// kernel: sparse-core-data-format-call.cloned.1.call-start
scs
called_computation_lowered:
.L_overlay_start_0:
0x0: {  	s2 =	sld [smem:$0x3FD9]  }
0x1: {  	s3 =	sld [smem:$0x3FFE];
	_ =	sdelay $0x1  }
0x2: {  	s1 =	srdreg.scid  }
0x3: {  	s0 =	sand.u32 $0x1, s1  }
0x4: {  	s18 =	sshll.u32 s0, $0xA;
	s2 =	sadd.s32 s3, s2  }
0x5: {  	s2 =	sadd.s32 s2, s18  }
0x6: {  	[smem:$0x3FC5] =	sst s2  }
0x7: {  	_ = 	snop  }
0x8: {  	s2 =	sld [smem:$0x3FD0];
	(tm) =	ssettm $0x1  }
0x9: {  	s19 =	sld [smem:$0x3FFB];
	_ =	sdelay $0x3  }
0xa: {  	_ =	strace s19  }
0xb: {  	s3 =	sld [smem:$0x3FFC];
	_ =	sdelay $0x3  }
0xc: {  	_ =	strace s3  }
0xd: {  	s3 =	sld [smem:$0x3FFD];
	_ =	sdelay $0x3  }
0xe: {  	_ =	strace s3  }
0xf: {  	_ =	strace $0x8FFFFFFF  }
0x10: {  	s20 =	sld [smem:$0x3FDB];
	_ =	sdelay $0x1  }
0x11: {  	s4 =	simm.s32 $_scs_section_size  }
0x12: {  	s5 =	simm.s32 $_size__tile_overlayer_lowered;
	s6 =	simm.s32 $_tile_overlayer_lowered  }
0x13: {  	s23 =	simm.s32 $0x1BFF;
	s22 =	sshll.u32 s6, $0x1;
	s3 =	sadd.s32 s4, s20  }
0x14: {  	s7 =	simm.s32 $0x0;
	s21 =	sshll.u32 s5, $0x1;
	s5 =	sadd.s32 s22, s3  }
0x15: {  	[timem:s7], [sflag:s23] =	dma.local [hbm:s5], s21  }
0x16: {  	_ =	swait.ge [sflag:s23], s21  }
0x17: {  	s4 =	ssub.s32 $0x0, s21;
	[sflag:s23] =	ssyncset.done $0x0  }
0x18: {  	[sflag:s23] =	ssyncadd.s32 s4;
	_ =	sdelay $0x1  }
0x19: {  	s24 =	simm.s32 $0x1B8B  }
0x1a: {  	_ =	swait.ge [sflag:s24], $0x1  }
0x1b: {  	[sflag:s24] =	ssyncset.done $0x0  }
0x1c: {  	s26 =	simm.s32 $0x1B8E;
	s25 =	sld [smem:$0x3FFE];
	[sflag:s24] =	ssyncadd.s32 $0xFFFFFFFF  }
0x1d: {  	s27 =	simm.s32 $execute0_lowered;
	[smem:$0x3FD2] =	sst s26  }
0x1e: {  	s5 =	sshll.u32 s27, $0x1;
	_ =	strace $0x80000049;
	[dreg:$0x1] =	wrdreg $0xFFFFFFFF  }
0x1f: {  	s28 =	simm.s32 $_size_execute0_lowered;
	s3 =	sadd.s32 s3, s5;
	[dreg:$0x0] =	wrdreg $0x0  }
0x20: {  	s5 =	sshll.u32 s28, $0x1;
	[dreg:$0x2] =	wrdreg s3  }
0x21: {  	[dreg:$0x3] =	wrdreg s5  }
0x22: {  	[dreg:$0x4] =	wrdreg $0xC0  }
0x23: {  	_ =	task [dreg:s7], $0x5FFFF  }
0x24: {  	[dreg:$0x1] =	wrdreg $0xFFFFFFFF  }
0x25: {  	[dreg:$0x0] =	wrdreg $0x60  }
0x26: {  	[dreg:$0x2] =	wrdreg s25  }
0x27: {  	[dreg:$0x3] =	wrdreg s2  }
0x28: {  	[dreg:$0x4] =	wrdreg $0x9  }
0x29: {  	_ =	task.clear_ibuf [dreg:s7], $0x5FFFF;
	_ =	strace $0x90000049  }
0x2a: {  	s29 =	simm.s32 $0x9;
	_ =	strace $0x8000004B  }
0x2b: {  	_ =	swait.ge [sflag:s29], $0x1  }
0x2c: {  	[sflag:s29] =	ssyncadd.s32 $0xFFFFFFFF  }
0x2d: {  	_ =	strace $0x9000004B  }
0x2e: {  	_ =	sfence  }
0x2f: {  	s30 =	sld [smem:$0x0];
	_ =	sdelay $0x2  }
0x30: {  	s31 =	sshll.u32 s1, $0xD;
	s1 =	sshrl.u32 s1, $0x2  }
0x31: {  	s3 =	sand.u32 $0x4000, s31;
	s1 =	sadd.s32 s1, s30  }
0x32: {  	s0 =	sor.u32 s3, s0;
	s1 =	sshll.u32 s1, $0x11  }
0x33: {  	s0 =	sor.u32 s1, s0  }
0x34: {  	s0 =	sadd.s32 $0x8F2B, s0  }
0x35: {  	[sflag:s0] =	ssyncadd.remote.s32 $0x1  }
0x36: {  	_ =	sfence.sel $0xFFFF  }
0x37: {  	[dreg:$0x0] =	wrdreg $0xFFFFFFFF;
	(pc) =	sbr.abs _section_cstart, $3  }
0x38: {  	[dreg:$0x1] =	wrdreg $0xFFFFFFFF  }
0x39: {  	_ =	task.clear_ibuf [dreg:s7], $0x2FFFF;
	_ =	strace $0x9FFFFFFF  }
0x3a: {  	(tm) =	ssettm $0x7FFFFFFF  }
0x3b: {  	_ =	shalt  }
tec
execute0_lowered:
.L_overlay_start_1:
0x0: {  	(tag) =	ssettag $0x1  }
0x1: {  	s0 =	srdreg.scid  }
0x2: {  	s1 =	sshll.u32 s0, $0x4  }
0x3: {  	s6 =	rddreg [dreg:$0x0];
	s0 =	stileid.u32;
	s1 =	sand.u32 $0x10, s1  }
0x4: {  	s3 =	rddreg [dreg:$0x1];
	s1 =	sor.u32 s0, s1  }
0x5: {  	s5 =	simm.s32 $0x1;
	s31 =	simm.s32 $0x2;
	s2 =	sshll.u32 s1, $0x7  }
0x6: {  	s15 =	simm.s32 $0x0;
	s8 =	simm.s32 $0xC8000;
	s4 =	ssub.s32 $0x1000, s2  }
0x7: {  	s14 =	simm.s32 $0x0;
	s9 =	simm.s32 $0x0;
	s30 =	sand.u32 $0xF80, s4  }
0x8: {  	s10 =	simm.s32 $0x0;
	s11 =	simm.s32 $0x0;
	p0 =	sne.s32 s30, $0x0  }
.Ltmp0:
0x9: {  	s7 =	sshrl.u32 s4, $0xC;
	s5 =	simm.s32 @!p0 $0x0;
	(pc) =	sbr.rel .LBB1_1-.Ltmp0, $4  }
0xa: {  	s13 =	simm.s32 $0x0;
	s1 =	rddreg [dreg:$0x2];
	s5 =	sadd.s32 s5, s7  }
0xb: {  	_ =	strace $0x8000004A;
	s4 =	simm.s32 $0x1;
	s5 =	smul.u32 $0xC8, s5  }
0xc: {  	s6 =	sadd.s32 $0xA43E00, s6;
	s12 =	smov.u32 s2;
	[sflag:s4] =	ssyncpa.u1 $0x0  }
0xd: {  	[sflag:s31] =	ssyncpa.u1 $0x0;
	p0 =	por $0x0, $0x0;
	s7 =	sor.u32 $0x1, s5  }
.LBB1_4:
0xe: {  	s20 =	sshra.s32 s20, $0x2;
	s27 =	sshll.u32 s9, $0xC  }
0xf: {  	s21 =	sand.u32 $0x78, s10;
	s22 =	sshll.u32 s10, $0x3;
	s24 =	sshll.u32 s9, $0x7  }
0x10: {  	p1 =	sgt.s32 s9, $0xC7;
	s30 =	sshra.s32 s9, $0x1F;
	s25 =	sshra.s32 s10, $0x1F  }
0x11: {  	s19 =	sadd.s32 s20, s19;
	s20 =	sand.u32 $0xFFFF8000, s27;
	s23 =	sand.u32 $0xFFFFFC00, s22  }
0x12: {  	v5 =	vld [tilespmem:s17+$0xFFFFFFD0];
	[tilespmem:s18+$0x2040 ss:$0x81] =	vst.msk $0xffff, v4;
	s22 =	sand.u32 $0xC00, s22;
	s28 =	sand.u32 $0x380, s24;
	s31 =	sand.u32 s30, s9  }
0x13: {  	v58 =	vld [tilespmem:s17+$0xFFFFFFE0];
	[tilespmem:s18+$0x2850 ss:$0x81] =	vst.msk $0xffff, v3;
	s24 =	smov.u32 s10;
	s25 =	sand.u32 s25, s10;
	s20 =	sadd.s32 s23, s20  }
0x14: {  	v59 =	vld [tilespmem:s17+$0xFFFFFFF0];
	[tilespmem:s18+$0x3060 ss:$0x81] =	vst.msk $0xffff, v2;
	s21 =	sor.u32 s21, s22;
	s22 =	smov.u32 s9;
	s20 =	sshrl.u32 s20, $0xC  }
0x15: {  	v60 =	vld [tilespmem:s17+$0x0];
	[tilespmem:s18+$0x0 ss:$0x81] =	vst.msk $0xffff, v1;
	s22 =	simm.s32 @!p1 $0xC7;
	p1 =	sgt.s32 s10, $0xF80;
	s29 =	smulhi.u32 $0x147AE15, s20  }
0x16: {  	v61 =	vld [tilespmem:s17+$0x10];
	[tilespmem:s19+$0x3870 ss:$0x81] =	vst.msk $0xffff, v0;
	s21 =	sor.u32 s28, s21;
	s18 =	ssub.s32 s22, s31;
	s24 =	simm.s32 @!p1 $0xF80  }
0x17: {  	v62 =	vld [tilespmem:s17+$0x20];
	[tilespmem:s19+$0x810 ss:$0x81] =	vst.msk $0xffff, v5;
	s22 =	ssub.s32 s24, s25;
	s26 =	ssub.s32 $0xC8, s18;
	s23 =	smul.u32 $0xC8, s29  }
0x18: {  	v63 =	vld [tilespmem:s17+$0xFFFFFFC0];
	[tilespmem:s19+$0x1020 ss:$0x81] =	vst.msk $0xffff, v58;
	s27 =	sadd.s32 $0xFFFFFF39, s18;
	s18 =	smul.u32 $0x64, s26;
	s28 =	sadd.s32 $0xFFFFF080, s22  }
0x19: {  	[tilespmem:s19+$0x1830 ss:$0x81] =	vst.msk $0xffff, v59;
	p1 =	sgt.s32 s27, $0x0;
	s17 =	ssub.s32 $0x1000, s22;
	p2 =	sgt.s32 s28, $0x7F  }
0x1a: {  	s30 =	sand.u32 $0x7, s10;
	[tilespmem:s19+$0x2040 ss:$0x81] =	vst.msk $0xffff, v60;
	s18 =	simm.s32 @p1 $0x0;
	s17 =	simm.s32 @p2 $0x0  }
0x1b: {  	[tilespmem:s19+$0x2850 ss:$0x81] =	vst.msk $0xffff, v61;
	s29 =	sshrl.u32 s21, $0x3;
	s20 =	ssub.s32 s20, s23;
	s17 =	smul.u32 s17, s18  }
0x1c: {  	[tilespmem:s19+$0x3060 ss:$0x81] =	vst.msk $0xffff, v62;
	s21 =	sshll.u32 s30, $0x12;
	s20 =	sshll.u32 s20, $0x9;
	s18 =	sadd.s32 s3, s29  }
0x1d: {  	[tilespmem:s19+$0x0 ss:$0x81] =	vst.msk $0xffff, v63;
	s31 =	sor.u32 $0x80, s21;
	s18 =	sadd.s32 s20, s18;
	s17 =	sand.u32 $0x3FFFFFFC, s17  }
0x1e: {  	[hbm4b:s18+s31] =	stream.strided.scatter [tilespmem:s16], [sflag:$0x2], s17, s8, s31, $0x20;
	[tilespmem:$0x10100] =	vst v63  }
.LBB1_5:
0x1f: {  	p1 =	slt.u32 s13, $0x2  }
0x20: {  	s17 =	smov.u32 s15;
	p2 =	sgt.s32 @!p1 s15, $0xC7;
	s16 =	sshra.s32 @!p1 s15, $0x1F  }
0x21: {  	p3 =	sgt.s32 @!p1 s14, $0xF80;
	s18 =	sshra.s32 @!p1 s14, $0x1F;
	p2 =	por !p2, p1  }
0x22: {  	s15 =	sand.u32 @!p1 s16, s15;
	p3 =	por !p3, p1;
	s16 =	smov.u32 s14  }
0x23: {  	s14 =	sand.u32 @!p1 s18, s14;
	s17 =	simm.s32 @p2 $0xC7;
	s16 =	simm.s32 @p3 $0xF80  }
0x24: {  	s18 =	smov.u32 s12;
	s15 =	ssub.s32 @!p1 s17, s15;
	s14 =	ssub.s32 @!p1 s16, s14  }
0x25: {  	s16 =	sadd.s32 @!p1 $0xFFFFFF39, s15;
	s15 =	ssub.s32 @!p1 $0xC8, s15;
	s17 =	sadd.s32 @!p1 $0xFFFFF080, s14  }
0x26: {  	p2 =	sgt.s32 @!p1 s16, $0x0;
	s15 =	smul.u32 @!p1 $0x64, s15;
	p3 =	sgt.s32 @!p1 s17, $0x7F  }
0x27: {  	s14 =	ssub.s32 @!p1 $0x1000, s14;
	p2 =	por !p2, p1;
	p3 =	por !p3, p1  }
0x28: {  	s16 =	sadd.s32 $0x1, s11;
	s15 =	simm.s32 @!p2 $0x0;
	s14 =	simm.s32 @!p3 $0x0  }
0x29: {  	p2 =	sgt.s32 s16, $0xC7;
	s14 =	smul.u32 @!p1 s14, s15;
	s15 =	sadd.s32 $0x1000, s12  }
0x2a: {  	s18 =	smov.u32 @p2 s15  }
0x2b: {  	s16 =	simm.s32 @p2 $0x0;
	p2 =	sgt.s32 s18, $0xFFF  }
0x2c: {  	s18 =	smov.u32 @p2 s2;
	p2 =	sne.s32 s13, s7  }
.Ltmp1:
0x2d: {  	p0 =	por !p0, !p0;
	s17 =	simm.s32 @!p1 $0x2;
	(pc) =	sbr.rel @!p2 .LBB1_6-.Ltmp1, $4  }
0x2e: {  	s15 =	smov.u32 s9;
	s9 =	smov.u32 s11;
	s14 =	sand.u32 @!p1 $0x3FFFFFFC, s14  }
0x2f: {  	s11 =	smov.u32 s16;
	_ =	swait.ge @!p1 [sflag:s17], s14;
	s19 =	ssub.s32 @!p1 $0x0, s14  }
0x30: {  	s14 =	smov.u32 s10;
	s13 =	sadd.s32 $0x1, s13;
	[sflag:s17] =	ssyncset.done @!p1 $0x0  }
0x31: {  	s10 =	smov.u32 s12;
	s12 =	smov.u32 s18;
	[sflag:s17] =	ssyncadd.s32 @!p1 s19  }
.LBB1_1:
0x32: {  	p1 =	sge.u32 s13, s5  }
0x33: {  	s16 =	sand.u32 @!p1 $0x1FFFFFF, s11  }
0x34: {  	s17 =	smulhi.u32 @!p1 $0x147AE15, s16;
	_ =	sdelay $0x1  }
0x35: {  	s17 =	smul.u32 @!p1 $0xC8, s17  }
0x36: {  	s18 =	sxor.u32 @!p1 $0xFFFFFFFF, s13;
	s19 =	smul.u32 @!p1 $0xC80, s12  }
0x37: {  	s31 =	sadd.s32 $0xFFFFFFFF, s13;
	s18 =	sshll.u32 @!p1 s18, $0xE;
	s16 =	ssub.s32 @!p1 s16, s17  }
0x38: {  	s17 =	sand.u32 @!p1 $0x4000, s18;
	s18 =	sadd.s32 @!p1 s6, s19;
	s16 =	sshll.u32 @!p1 s16, $0x4  }
0x39: {  	s19 =	simm.s32 @!p1 $0x6400;
	s16 =	sadd.s32 @!p1 s16, s18;
	s18 =	simm.s32 @!p1 $0x80  }
0x3a: {  	[tilespmem:s17], [sflag:$0x1] =	stream.strided.gather @!p1 [hbm4b:s16+s18], $0x4000, s19, s18, $0x38;
	[tilespmem:$0x10100] =	vst v63  }
0x3b: {  	p1 =	sge.u32 s31, s5  }
.Ltmp2:
0x3c: {  	_ = 	snop;
	(pc) =	sbr.rel @p1 .LBB1_5-.Ltmp2, $1  }
0x3d: {  	_ =	sdelay $0x3  }
0x3e: {  	s16 =	simm.s32 $0x1  }
0x3f: {  	_ =	swait.ge [sflag:s4], $0x4000;
	s16 =	simm.s32 @!p0 $0x0  }
0x40: {  	[sflag:s4] =	ssyncset.done $0x0;
	s17 =	sshll.u32 s16, $0xE  }
0x41: {  	[sflag:s4] =	ssyncadd.s32 $0xFFFFC000;
	s17 =	sor.u32 $0x40, s17  }
0x42: {  	s16 =	smul.u32 $0x10200, s16;
	v0 =	vld [tilespmem:s17+$0x30]  }
0x43: {  	v1 =	vld [tilespmem:s17+$0xFFFFFFD0]  }
0x44: {  	s16 =	sshrl.u32 s16, $0x2;
	v5 =	vld [tilespmem:s17+$0xFFFFFFE0]  }
0x45: {  	v6 =	vld [tilespmem:s17+$0xFFFFFFF0];
	s19 =	sor.u32 $0x8000, s16  }
0x46: {  	s31 =	sand.u32 $0x1, s13;
	v4 =	vld [tilespmem:s17+$0x0];
	s18 =	sadd.s32 $0x0, s19  }
0x47: {  	v3 =	vld [tilespmem:s17+$0x10];
	s16 =	smul.u32 $0x10200, s31;
	[tilespmem:s18+$0x3870 ss:$0x81] =	vst.msk $0xffff, v0  }
0x48: {  	v2 =	vld [tilespmem:s17+$0x20];
	[tilespmem:s18+$0x810 ss:$0x81] =	vst.msk $0xffff, v1  }
0x49: {  	s16 =	sshrl.u32 s16, $0x2;
	v1 =	vld [tilespmem:s17+$0xFFFFFFC0];
	[tilespmem:s18+$0x1020 ss:$0x81] =	vst.msk $0xffff, v5;
	s17 =	sadd.s32 $0x80, s17  }
0x4a: {  	s20 =	simm.s32 $0x4;
	s21 =	simm.s32 $0x8;
	s16 =	sor.u32 $0x8000, s16;
	[tilespmem:s18+$0x1830 ss:$0x81] =	vst.msk $0xffff, v6;
	v0 =	vld [tilespmem:s17+$0x30]  }
.LBB1_3:
0x4b: {  	p1 =	sne.s32 s21, $0x1FC;
	v5 =	vld [tilespmem:s17+$0xFFFFFFD0];
	[tilespmem:s18+$0x2040 ss:$0x81] =	vst.msk $0xffff, v4  }
0x4c: {  	v6 =	vld [tilespmem:s17+$0xFFFFFFE0];
	[tilespmem:s18+$0x2850 ss:$0x81] =	vst.msk $0xffff, v3  }
0x4d: {  	s22 =	sshra.s32 s20, $0x2;
	s20 =	smov.u32 s21;
	v7 =	vld [tilespmem:s17+$0xFFFFFFF0];
	[tilespmem:s18+$0x3060 ss:$0x81] =	vst.msk $0xffff, v2  }
.Ltmp3:
0x4e: {  	v4 =	vld [tilespmem:s17+$0x0];
	[tilespmem:s18+$0x0 ss:$0x81] =	vst.msk $0xffff, v1;
	s18 =	sadd.s32 s22, s19;
	(pc) =	sbr.rel @p1 .LBB1_3-.Ltmp3, $4  }
0x4f: {  	v3 =	vld [tilespmem:s17+$0x10];
	[tilespmem:s18+$0x3870 ss:$0x81] =	vst.msk $0xffff, v0  }
0x50: {  	[tilespmem:s18+$0x810 ss:$0x81] =	vst.msk $0xffff, v5;
	v2 =	vld [tilespmem:s17+$0x20]  }
0x51: {  	v1 =	vld [tilespmem:s17+$0xFFFFFFC0];
	[tilespmem:s18+$0x1020 ss:$0x81] =	vst.msk $0xffff, v6;
	s17 =	sadd.s32 $0x80, s17  }
0x52: {  	s21 =	sadd.s32 $0x4, s21;
	v0 =	vld [tilespmem:s17+$0x30];
	[tilespmem:s18+$0x1830 ss:$0x81] =	vst.msk $0xffff, v7  }
.Ltmp4:
0x53: {  	_ = 	snop;
	(pc) =	sbr.rel .LBB1_4-.Ltmp4, $1  }
0x54: {  	_ =	sdelay $0x3  }
.LBB1_6:
0x55: {  	_ =	sfence.sel $0x180000  }
0x56: {  	s2 =	simm.s32 $0x1;
	[bflag:$0x0] =	sbarrier.arrive $0xFFFF  }
0x57: {  	s31 =	simm.s32 $0x2;
	[sflag:s2] =	ssyncpa.u1 $0x1  }
0x58: {  	[sflag:s31] =	ssyncpa.u1 $0x1  }
0x59: {  	p0 =	sne.s32 s0, $0x0;
	_ =	strace $0x9000004A  }
0x5a: {  	s0 =	sadd.s32 @!p0 $0x100000, s1;
	[bflag:$0x2] =	sbarrier.arrive $0xFFFF  }
0x5b: {  	[sflag:s0] =	ssyncadd.tile.s32 @!p0 $0x1;
	_ =	shalt  }
.Lfunc_end1:
_tile_overlayer_lowered:
.L_overlay_start_2:
0x5c: {  	(tag) =	ssettag $0x2  }
0x5d: {  	s0 =	rddreg [dreg:$0x0];
	s2 =	stileid.u32  }
0x5e: {  	s1 =	rddreg [dreg:$0x1];
	p0 =	sne.s32 s2, $0x0  }
0x5f: {  	s3 =	rddreg [dreg:$0x2];
	[bflag:$0x3] =	sbarrier.arrive $0xFFFF;
	s2 =	simm.s32 @!p0 $0x1C01  }
0x60: {  	[timem:s3], [sflag:s2] =	dma.local @!p0 [hbm:s0], s1  }
0x61: {  	s0 =	simm.s32 @!p0 $0x1  }
0x62: {  	_ =	swait.ge @!p0 [sflag:s0], s1  }
0x63: {  	s1 =	ssub.s32 @!p0 $0x0, s1;
	[sflag:s0] =	ssyncset.done @!p0 $0x0  }
0x64: {  	[sflag:s0] =	ssyncadd.s32 @!p0 s1  }
0x65: {  	[bflag:$0x3] =	sbarrier.arrive $0xFFFF  }
0x66: {  	_ =	shalt  }

</sc_bundles>
